<compile_context>
chip_gen: v7x
topology: tpu7x:2x2x1
jax: 0.10.2.dev20260603
libtpu: 0.0.44.dev20260713+nightly
codegen_flags: <defaults>
</compile_context>

<pallas_src>
import functools

import jax
import jax.numpy as jnp
from jax.experimental import pallas as pl
from jax.experimental.pallas import tpu as pltpu

D_MODEL = 768
N_HEADS = 12
HEAD_DIM = D_MODEL // N_HEADS
D_STATE = 16
D_CONV = 4
D_INNER = 2 * D_MODEL
DT_RANK = D_MODEL // 16
TOPK_RATIO = 0.2

_F32 = jnp.float32



def _ln_router_kernel(x_ref, g_ref, b_ref, w1_ref, b1_ref, w2_ref, b2_ref,
                      xn_ref, s_ref):
    x = x_ref[...]
    mu = jnp.mean(x, axis=1, keepdims=True)
    xc = x - mu
    var = jnp.mean(xc * xc, axis=1, keepdims=True)
    xn = xc * jax.lax.rsqrt(var + 1e-5) * g_ref[...] + b_ref[...]
    xn_ref[...] = xn
    h1 = jax.lax.dot_general(xn, w1_ref[...], (((1,), (1,)), ((), ())),
                             preferred_element_type=_F32) + b1_ref[...]
    h1 = jax.nn.gelu(h1, approximate=True)
    s_ref[...] = jnp.sum(h1 * w2_ref[...], axis=1, keepdims=True) + b2_ref[0, 0]


def _ln_router_call(xf, p):
    n = xf.shape[0]
    blk = 512
    grid = (n // blk,)
    return pl.pallas_call(
        _ln_router_kernel,
        grid=grid,
        in_specs=[
            pl.BlockSpec((blk, D_MODEL), lambda i: (i, 0)),
            pl.BlockSpec((1, D_MODEL), lambda i: (0, 0)),
            pl.BlockSpec((1, D_MODEL), lambda i: (0, 0)),
            pl.BlockSpec((D_MODEL // 4, D_MODEL), lambda i: (0, 0)),
            pl.BlockSpec((1, D_MODEL // 4), lambda i: (0, 0)),
            pl.BlockSpec((1, D_MODEL // 4), lambda i: (0, 0)),
            pl.BlockSpec((1, 1), lambda i: (0, 0)),
        ],
        out_specs=[
            pl.BlockSpec((blk, D_MODEL), lambda i: (i, 0)),
            pl.BlockSpec((blk, 1), lambda i: (i, 0)),
        ],
        out_shape=[
            jax.ShapeDtypeStruct((n, D_MODEL), _F32),
            jax.ShapeDtypeStruct((n, 1), _F32),
        ],
    )(xf, p['ln_g'].reshape(1, -1), p['ln_b'].reshape(1, -1),
      p['r_w1'], p['r_b1'].reshape(1, -1), p['r_w2'], p['r_b2'].reshape(1, 1))



def _attn_kernel(k_real, xg_ref, wq_ref, wk_ref, wv_ref,
                 bq_ref, bk_ref, bv_ref, wo_ref, bo_ref, out_ref):
    h = pl.program_id(1)
    xg = xg_ref[0]
    q = jax.lax.dot_general(xg, wq_ref[...], (((1,), (1,)), ((), ())),
                            preferred_element_type=_F32) + bq_ref[0]
    k = jax.lax.dot_general(xg, wk_ref[...], (((1,), (1,)), ((), ())),
                            preferred_element_type=_F32) + bk_ref[0]
    v = jax.lax.dot_general(xg, wv_ref[...], (((1,), (1,)), ((), ())),
                            preferred_element_type=_F32) + bv_ref[0]
    s = jax.lax.dot_general(q, k, (((1,), (1,)), ((), ())),
                            preferred_element_type=_F32)
    s = s * (1.0 / (HEAD_DIM ** 0.5))
    col = jax.lax.broadcasted_iota(jnp.int32, s.shape, 1)
    s = jnp.where(col >= k_real, -1e30, s)
    m = jnp.max(s, axis=1, keepdims=True)
    e = jnp.exp(s - m)
    patt = e / jnp.sum(e, axis=1, keepdims=True)
    o = jax.lax.dot_general(patt, v, (((1,), (0,)), ((), ())),
                            preferred_element_type=_F32)
    contrib = jax.lax.dot_general(o, wo_ref[0], (((1,), (0,)), ((), ())),
                                  preferred_element_type=_F32)

    @pl.when(h == 0)
    def _():
        out_ref[0] = contrib + bo_ref[...]

    @pl.when(h != 0)
    def _():
        out_ref[0] = out_ref[0] + contrib


def _attn_call(xg, p, k_real):
    bsz, kpad, _ = xg.shape
    bqkv = p['bqkv'].reshape(3 * N_HEADS, 1, HEAD_DIM)
    call = pl.pallas_call(
        functools.partial(_attn_kernel, k_real),
        grid=(bsz, N_HEADS),
        in_specs=[
            pl.BlockSpec((1, kpad, D_MODEL), lambda b, h: (b, 0, 0)),
            pl.BlockSpec((HEAD_DIM, D_MODEL), lambda b, h: (h, 0)),
            pl.BlockSpec((HEAD_DIM, D_MODEL), lambda b, h: (N_HEADS + h, 0)),
            pl.BlockSpec((HEAD_DIM, D_MODEL), lambda b, h: (2 * N_HEADS + h, 0)),
            pl.BlockSpec((1, 1, HEAD_DIM), lambda b, h: (h, 0, 0)),
            pl.BlockSpec((1, 1, HEAD_DIM), lambda b, h: (N_HEADS + h, 0, 0)),
            pl.BlockSpec((1, 1, HEAD_DIM), lambda b, h: (2 * N_HEADS + h, 0, 0)),
            pl.BlockSpec((1, HEAD_DIM, D_MODEL), lambda b, h: (h, 0, 0)),
            pl.BlockSpec((1, D_MODEL), lambda b, h: (0, 0)),
        ],
        out_specs=pl.BlockSpec((1, kpad, D_MODEL), lambda b, h: (b, 0, 0)),
        out_shape=jax.ShapeDtypeStruct((bsz, kpad, D_MODEL), _F32),
        compiler_params=pltpu.CompilerParams(
            dimension_semantics=("parallel", "arbitrary")),
    )
    wo_t = p['wo'].T.reshape(N_HEADS, HEAD_DIM, D_MODEL)
    return call(xg, p['wqkv'], p['wqkv'], p['wqkv'], bqkv, bqkv, bqkv, wo_t,
                p['bo'].reshape(1, -1))



def _ssm_kernel(lc, u_ref, up_ref, win_ref, bin_ref, cw_ref, cb_ref,
                wxdt_ref, wxb_ref, wxc_ref, wdt_ref, bdt_ref, at_ref, dp_ref,
                wout_ref, bout_ref,
                out_ref, h_ref, ys_ref, dt_ref, dtx_ref, b_sref, c_sref):
    c = pl.program_id(1)

    @pl.when(c == 0)
    def _():
        h_ref[...] = jnp.zeros_like(h_ref)

    u = u_ref[0]
    xz = jax.lax.dot_general(u, win_ref[...], (((1,), (1,)), ((), ())),
                             preferred_element_type=_F32) + bin_ref[...]
    xs = xz[:, :D_INNER]
    zg = xz[:, D_INNER:]

    up3 = jax.lax.dot_general(up_ref[0, lc - (D_CONV - 1):, :],
                              win_ref[:D_INNER, :], (((1,), (1,)), ((), ())),
                              preferred_element_type=_F32) + bin_ref[:, :D_INNER]
    up3 = jnp.where(c == 0, jnp.zeros_like(up3), up3)
    xs_ext = jnp.concatenate([up3, xs], axis=0)
    acc = jnp.zeros_like(xs)
    for j in range(D_CONV):
        acc = acc + xs_ext[j:j + lc, :] * cw_ref[j:j + 1, :]
    xc = acc + cb_ref[...]
    xc = xc * jax.nn.sigmoid(xc)

    dt_r = jax.lax.dot_general(xc, wxdt_ref[...], (((1,), (1,)), ((), ())),
                               preferred_element_type=_F32)
    b_sref[...] = jax.lax.dot_general(xc, wxb_ref[...], (((1,), (1,)), ((), ())),
                                      preferred_element_type=_F32)
    c_sref[...] = jax.lax.dot_general(xc, wxc_ref[...], (((1,), (1,)), ((), ())),
                                      preferred_element_type=_F32)
    dt = jax.lax.dot_general(dt_r, wdt_ref[...], (((1,), (1,)), ((), ())),
                             preferred_element_type=_F32) + bdt_ref[...]
    dt = jax.nn.softplus(dt)
    dt_ref[...] = dt
    dtx_ref[...] = dt * xc

    a_t = at_ref[...]

    def body(t, h):
        dt_row = dt_ref[pl.ds(t, 1), :]
        dtx_row = dtx_ref[pl.ds(t, 1), :]
        b_row = b_sref[pl.ds(t, 1), :]
        c_row = c_sref[pl.ds(t, 1), :]
        da = jnp.exp(dt_row * a_t)
        upd = jax.lax.dot_general(b_row, dtx_row, (((0,), (0,)), ((), ())),
                                  preferred_element_type=_F32)
        h = da * h + upd
        ys_ref[pl.ds(t, 1), :] = jax.lax.dot_general(
            c_row, h, (((1,), (0,)), ((), ())), preferred_element_type=_F32)
        return h

    h_fin = jax.lax.fori_loop(0, lc, body, h_ref[...])
    h_ref[...] = h_fin

    y = ys_ref[...] + xc * dp_ref[...]
    y = y * (zg * jax.nn.sigmoid(zg))
    out_ref[0] = jax.lax.dot_general(y, wout_ref[...], (((1,), (1,)), ((), ())),
                                     preferred_element_type=_F32) + bout_ref[...]


def _ssm_call(xg, p):
    bsz, lpad, _ = xg.shape
    lc = 256
    nc = lpad // lc
    a_t = -jnp.exp(p['A_log']).T
    cw_t = p['conv_w'].T
    return pl.pallas_call(
        functools.partial(_ssm_kernel, lc),
        grid=(bsz, nc),
        in_specs=[
            pl.BlockSpec((1, lc, D_MODEL), lambda b, c: (b, c, 0)),
            pl.BlockSpec((1, lc, D_MODEL),
                         lambda b, c: (b, jnp.maximum(c - 1, 0), 0)),
            pl.BlockSpec((2 * D_INNER, D_MODEL), lambda b, c: (0, 0)),
            pl.BlockSpec((1, 2 * D_INNER), lambda b, c: (0, 0)),
            pl.BlockSpec((D_CONV, D_INNER), lambda b, c: (0, 0)),
            pl.BlockSpec((1, D_INNER), lambda b, c: (0, 0)),
            pl.BlockSpec((DT_RANK, D_INNER), lambda b, c: (0, 0)),
            pl.BlockSpec((D_STATE, D_INNER), lambda b, c: (0, 0)),
            pl.BlockSpec((D_STATE, D_INNER), lambda b, c: (0, 0)),
            pl.BlockSpec((D_INNER, DT_RANK), lambda b, c: (0, 0)),
            pl.BlockSpec((1, D_INNER), lambda b, c: (0, 0)),
            pl.BlockSpec((D_STATE, D_INNER), lambda b, c: (0, 0)),
            pl.BlockSpec((1, D_INNER), lambda b, c: (0, 0)),
            pl.BlockSpec((D_MODEL, D_INNER), lambda b, c: (0, 0)),
            pl.BlockSpec((1, D_MODEL), lambda b, c: (0, 0)),
        ],
        out_specs=pl.BlockSpec((1, lc, D_MODEL), lambda b, c: (b, c, 0)),
        out_shape=jax.ShapeDtypeStruct((bsz, lpad, D_MODEL), _F32),
        compiler_params=pltpu.CompilerParams(
            dimension_semantics=("parallel", "arbitrary")),
        scratch_shapes=[
            pltpu.VMEM((D_STATE, D_INNER), _F32),
            pltpu.VMEM((lc, D_INNER), _F32),
            pltpu.VMEM((lc, D_INNER), _F32),
            pltpu.VMEM((lc, D_INNER), _F32),
            pltpu.VMEM((lc, D_STATE), _F32),
            pltpu.VMEM((lc, D_STATE), _F32),
        ],
    )(xg, xg, p['w_in'], p['b_in'].reshape(1, -1), cw_t,
      p['conv_b'].reshape(1, -1), p['w_x'][:DT_RANK],
      p['w_x'][DT_RANK:DT_RANK + D_STATE], p['w_x'][DT_RANK + D_STATE:],
      p['w_dt'], p['b_dt'].reshape(1, -1), a_t, p['D_p'].reshape(1, -1),
      p['w_out'], p['b_out'].reshape(1, -1))



@jax.jit
def kernel(x, params):
    bsz, t, d = x.shape
    k = max(1, min(t, int(TOPK_RATIO * t)))
    n_ssm = t - k

    xn_flat, s_flat = _ln_router_call(x.reshape(bsz * t, d), params)
    xn = xn_flat.reshape(bsz, t, d)
    scores = s_flat.reshape(bsz, t)

    _, topk_idx = jax.lax.top_k(scores, k)
    brange = jnp.arange(bsz)[:, None]
    mask = jnp.zeros((bsz, t), bool).at[brange, topk_idx].set(True)
    pos = jnp.arange(t)[None, :]
    order = jnp.argsort(mask.astype(jnp.int32) * t + pos, axis=1)
    bottom_idx = order[:, :n_ssm]

    kpad = ((k + 127) // 128) * 128
    lpad = ((n_ssm + 255) // 256) * 256
    att_idx = jnp.pad(topk_idx, ((0, 0), (0, kpad - k)))
    ssm_idx = jnp.pad(bottom_idx, ((0, 0), (0, lpad - n_ssm)))

    x_att = jnp.take_along_axis(
        xn, jnp.broadcast_to(att_idx[:, :, None], (bsz, kpad, d)), axis=1)
    x_ssm = jnp.take_along_axis(
        xn, jnp.broadcast_to(ssm_idx[:, :, None], (bsz, lpad, d)), axis=1)

    d_att = _attn_call(x_att, params, k)[:, :k]
    d_ssm = _ssm_call(x_ssm, params)[:, :n_ssm]

    delta = jnp.zeros_like(xn)
    delta = delta.at[brange, bottom_idx].set(d_ssm)
    delta = delta.at[brange, topk_idx].set(d_att)
    return x + delta

# --- scband reference (transcript-rebuilt; emitter-appended) ---
"""Pipeline reference for scband-routed-hybrid-block-33225867001999 (READ-ONLY COPY).

The authoritative reference and input builder live on the scoring server;
editing this copy changes nothing except your own understanding.
"""

import jax, jax.numpy as jnp
import numpy as np

D_MODEL = 768
N_HEADS = 12
D_STATE = 16
D_CONV = 4
EXPAND = 2
D_INNER = EXPAND * D_MODEL
DT_RANK = D_MODEL // 16
TOPK_RATIO = 0.2
B = 2
T = 4096


def setup_inputs():
    key = jax.random.PRNGKey(0)
    ks = jax.random.split(key, 12)
    def nrm(k, shape, s=0.02):
        return jax.random.normal(k, shape, dtype=jnp.float32) * s
    def z(*s):
        return jnp.zeros(s, jnp.float32)
    params = {
        'ln_g': jnp.ones((D_MODEL,), jnp.float32),
        'ln_b': z(D_MODEL),
        'r_w1': nrm(ks[0], (D_MODEL // 4, D_MODEL)),
        'r_b1': z(D_MODEL // 4),
        'r_w2': nrm(ks[1], (1, D_MODEL // 4)),
        'r_b2': z(1),
        'wqkv': nrm(ks[2], (3 * D_MODEL, D_MODEL)),
        'bqkv': z(3 * D_MODEL),
        'wo': nrm(ks[3], (D_MODEL, D_MODEL)),
        'bo': z(D_MODEL),
        'w_in': nrm(ks[4], (2 * D_INNER, D_MODEL)),
        'b_in': z(2 * D_INNER),
        'conv_w': nrm(ks[5], (D_INNER, D_CONV), 0.1),
        'conv_b': z(D_INNER),
        'w_x': nrm(ks[6], (DT_RANK + 2 * D_STATE, D_INNER)),
        'w_dt': nrm(ks[7], (D_INNER, DT_RANK)),
        'b_dt': z(D_INNER),
        'A_log': jnp.log(jnp.tile(jnp.arange(1, D_STATE + 1, dtype=jnp.float32)[None, :], (D_INNER, 1))),
        'D_p': jnp.ones((D_INNER,), jnp.float32),
        'w_out': nrm(ks[8], (D_MODEL, D_INNER)),
        'b_out': z(D_MODEL),
    }
    x = jax.random.normal(ks[9], (B, T, D_MODEL), dtype=jnp.float32)
    return {'x': x, 'params': params}


def _attn_core(u, p):
    B_, L, _ = u.shape
    hd = D_MODEL // N_HEADS
    qkv = u @ p['wqkv'].T + p['bqkv']
    q, k_, v = jnp.split(qkv, 3, axis=-1)
    def rs(t):
        return t.reshape(B_, L, N_HEADS, hd).transpose(0, 2, 1, 3)
    q, k_, v = rs(q), rs(k_), rs(v)
    att = (q @ jnp.swapaxes(k_, -1, -2)) / jnp.sqrt(jnp.float32(hd))
    att = jax.nn.softmax(att, axis=-1)
    o = (att @ v).transpose(0, 2, 1, 3).reshape(B_, L, D_MODEL)
    return o @ p['wo'].T + p['bo']


def _ssm_core(u, p):
    B_, L, _ = u.shape
    xz = u @ p['w_in'].T + p['b_in']
    xs, zg = jnp.split(xz, 2, axis=-1)
    xp = jnp.pad(xs, ((0, 0), (D_CONV - 1, 0), (0, 0)))
    xc = p['conv_b']
    acc = jnp.zeros_like(xs)
    for j in range(D_CONV):
        acc = acc + xp[:, j:j + L, :] * p['conv_w'][:, j][None, None, :]
    xc = acc + p['conv_b']
    xc = jax.nn.silu(xc)
    xdbc = xc @ p['w_x'].T
    dt = xdbc[..., :DT_RANK]
    Bm = xdbc[..., DT_RANK:DT_RANK + D_STATE]
    Cm = xdbc[..., DT_RANK + D_STATE:]
    dt = jax.nn.softplus(dt @ p['w_dt'].T + p['b_dt'])
    A = -jnp.exp(p['A_log'])

    def step(h, inp):
        dt_t, B_t, C_t, x_t = inp
        dA = jnp.exp(dt_t[:, :, None] * A[None, :, :])
        h = dA * h + dt_t[:, :, None] * B_t[:, None, :] * x_t[:, :, None]
        y = jnp.sum(h * C_t[:, None, :], axis=-1)
        return h, y

    h0 = jnp.zeros((B_, D_INNER, D_STATE), u.dtype)
    inps = (jnp.swapaxes(dt, 0, 1), jnp.swapaxes(Bm, 0, 1), jnp.swapaxes(Cm, 0, 1), jnp.swapaxes(xc, 0, 1))
    _, ys = jax.lax.scan(step, h0, inps)
    y = jnp.swapaxes(ys, 0, 1) + xc * p['D_p']
    y = y * jax.nn.silu(zg)
    return y @ p['w_out'].T + p['b_out']


def _forward(x, p):
    B_, T_, D_ = x.shape
    mu = x.mean(-1, keepdims=True)
    var = x.var(-1, keepdims=True)
    xn = (x - mu) / jnp.sqrt(var + 1e-5) * p['ln_g'] + p['ln_b']
    h1 = jax.nn.gelu(xn @ p['r_w1'].T + p['r_b1'])
    scores = (h1 @ p['r_w2'].T + p['r_b2'])[..., 0]
    k = max(1, int(TOPK_RATIO * T_))
    k = min(k, T_)
    _, topk_idx = jax.lax.top_k(scores, k)
    brange = jnp.arange(B_)[:, None]
    mask = jnp.zeros((B_, T_), bool).at[brange, topk_idx].set(True)
    pos = jnp.arange(T_)[None, :]
    order = jnp.argsort(mask.astype(jnp.int32) * T_ + pos, axis=1)
    bottom_idx = order[:, :T_ - k]
    bi = jnp.broadcast_to(bottom_idx[:, :, None], (B_, T_ - k, D_))
    x_ssm = jnp.take_along_axis(xn, bi, axis=1)
    d_ssm_t = _ssm_core(x_ssm, p)
    delta_ssm = jnp.zeros_like(xn).at[brange, bottom_idx].set(d_ssm_t)
    ti = jnp.broadcast_to(topk_idx[:, :, None], (B_, k, D_))
    x_att = jnp.take_along_axis(xn, ti, axis=1)
    d_att_t = _attn_core(x_att, p)
    delta_attn = jnp.zeros_like(xn).at[brange, topk_idx].set(d_att_t)
    delta = jnp.where(mask[:, :, None], delta_attn, delta_ssm)
    return x + delta


def reference(x, params):
    return _forward(x, params)

if __name__ == "__main__":
    import jax
    _d = setup_inputs()
    print(jax.jit(kernel)(*tuple(_d.values())))

</pallas_src>

<mosaic_0001>
module attributes {stable_mosaic.version = 14 : i64} {
  func.func @_ln_router_kernel(%arg0: i32, %arg1: memref<512x768xf32, #tpu.memory_space<vmem>>, %arg2: memref<1x768xf32, #tpu.memory_space<vmem>>, %arg3: memref<1x768xf32, #tpu.memory_space<vmem>>, %arg4: memref<192x768xf32, #tpu.memory_space<vmem>>, %arg5: memref<1x192xf32, #tpu.memory_space<vmem>>, %arg6: memref<1x192xf32, #tpu.memory_space<vmem>>, %arg7: memref<1x1xf32, #tpu.memory_space<vmem>>, %arg8: memref<512x768xf32, #tpu.memory_space<vmem>>, %arg9: memref<512x1xf32, #tpu.memory_space<vmem>>) attributes {dimension_semantics = [#tpu.dimension_semantics<arbitrary>], iteration_bounds = array<i64: 16>, scalar_prefetch = 0 : i64, scratch_operands = 0 : i64, tpu.core_type = #tpu.core_type<tc>, window_params = [{transform_indices = @transform_0, window_bounds = array<i64: 512, 768>}, {pipeline_mode = #tpu.pipeline_mode<synchronous>, transform_indices = @transform_1, window_bounds = array<i64: 1, 768>}, {pipeline_mode = #tpu.pipeline_mode<synchronous>, transform_indices = @transform_2, window_bounds = array<i64: 1, 768>}, {pipeline_mode = #tpu.pipeline_mode<synchronous>, transform_indices = @transform_3, window_bounds = array<i64: 192, 768>}, {pipeline_mode = #tpu.pipeline_mode<synchronous>, transform_indices = @transform_4, window_bounds = array<i64: 1, 192>}, {pipeline_mode = #tpu.pipeline_mode<synchronous>, transform_indices = @transform_5, window_bounds = array<i64: 1, 192>}, {pipeline_mode = #tpu.pipeline_mode<synchronous>, transform_indices = @transform_6, window_bounds = array<i64: 1, 1>}, {transform_indices = @transform_7, window_bounds = array<i64: 512, 768>}, {transform_indices = @transform_8, window_bounds = array<i64: 512, 1>}]} {
    %get3A = arith.constant 0 : index
    %get3A_0 = arith.constant 0 : index
    %get3A_1 = vector.load %arg1[%get3A, %get3A_0] : memref<512x768xf32, #tpu.memory_space<vmem>>, vector<512x768xf32>
    %reduce_sum3A = arith.constant dense<0.000000e+00> : vector<512xf32>
    %reduce_sum3A_2 = vector.multi_reduction <add>, %get3A_1, %reduce_sum3A [1] : vector<512x768xf32> to vector<512xf32>
    %broadcast_in_dim3A = vector.shape_cast %reduce_sum3A_2 : vector<512xf32> to vector<512x1xf32>
    %div3A = arith.constant 7.680000e+02 : f32
    %div3A_3 = vector.broadcast %div3A : f32 to vector<512x1xf32>
    %div3A_4 = arith.divf %broadcast_in_dim3A, %div3A_3 : vector<512x1xf32>
    %sub3A = vector.broadcast %div3A_4 : vector<512x1xf32> to vector<512x768xf32>
    %sub3A_5 = arith.subf %get3A_1, %sub3A : vector<512x768xf32>
    %mul3A = arith.mulf %sub3A_5, %sub3A_5 : vector<512x768xf32>
    %reduce_sum3A_6 = arith.constant dense<0.000000e+00> : vector<512xf32>
    %reduce_sum3A_7 = vector.multi_reduction <add>, %mul3A, %reduce_sum3A_6 [1] : vector<512x768xf32> to vector<512xf32>
    %broadcast_in_dim3A_8 = vector.shape_cast %reduce_sum3A_7 : vector<512xf32> to vector<512x1xf32>
    %div3A_9 = arith.constant 7.680000e+02 : f32
    %div3A_10 = vector.broadcast %div3A_9 : f32 to vector<512x1xf32>
    %div3A_11 = arith.divf %broadcast_in_dim3A_8, %div3A_10 : vector<512x1xf32>
    %add3A = arith.constant 9.99999974E-6 : f32
    %add3A_12 = vector.broadcast %add3A : f32 to vector<512x1xf32>
    %add3A_13 = arith.addf %div3A_11, %add3A_12 : vector<512x1xf32>
    %rsqrt3A = math.rsqrt %add3A_13 : vector<512x1xf32>
    %mul3A_14 = vector.broadcast %rsqrt3A : vector<512x1xf32> to vector<512x768xf32>
    %mul3A_15 = arith.mulf %sub3A_5, %mul3A_14 : vector<512x768xf32>
    %get3A_16 = arith.constant 0 : index
    %get3A_17 = arith.constant 0 : index
    %get3A_18 = vector.load %arg2[%get3A_16, %get3A_17] : memref<1x768xf32, #tpu.memory_space<vmem>>, vector<1x768xf32>
    %mul3A_19 = vector.broadcast %get3A_18 : vector<1x768xf32> to vector<512x768xf32>
    %mul3A_20 = arith.mulf %mul3A_15, %mul3A_19 : vector<512x768xf32>
    %get3A_21 = arith.constant 0 : index
    %get3A_22 = arith.constant 0 : index
    %get3A_23 = vector.load %arg3[%get3A_21, %get3A_22] : memref<1x768xf32, #tpu.memory_space<vmem>>, vector<1x768xf32>
    %add3A_24 = vector.broadcast %get3A_23 : vector<1x768xf32> to vector<512x768xf32>
    %add3A_25 = arith.addf %mul3A_20, %add3A_24 : vector<512x768xf32>
    %swap3A = arith.constant 0 : index
    %swap3A_26 = arith.constant 0 : index
    %swap3A_27 = vector.load %arg8[%swap3A, %swap3A_26] : memref<512x768xf32, #tpu.memory_space<vmem>>, vector<512x768xf32>
    tpu.vector_store %arg8[%swap3A, %swap3A_26], %add3A_25 {strides = array<i32>} : memref<512x768xf32, #tpu.memory_space<vmem>>, vector<512x768xf32>,
    %get3A_28 = arith.constant 0 : index
    %get3A_29 = arith.constant 0 : index
    %get3A_30 = vector.load %arg4[%get3A_28, %get3A_29] : memref<192x768xf32, #tpu.memory_space<vmem>>, vector<192x768xf32>
    %dot_general3A = arith.constant dense<0.000000e+00> : vector<512x192xf32>
    %dot_general3A_31 = tpu.matmul %add3A_25, %get3A_30, %dot_general3A {dimension_numbers = #tpu.dot_dimension_numbers<[1], [1], [0], [0], [0, 0, 1, 0], [], []>, transpose_lhs_hint = false} : vector<512x768xf32>, vector<192x768xf32>, vector<512x192xf32> -> vector<512x192xf32>
    %get3A_32 = arith.constant 0 : index
    %get3A_33 = arith.constant 0 : index
    %get3A_34 = vector.load %arg5[%get3A_32, %get3A_33] : memref<1x192xf32, #tpu.memory_space<vmem>>, vector<1x192xf32>
    %add3A_35 = vector.broadcast %get3A_34 : vector<1x192xf32> to vector<512x192xf32>
    %add3A_36 = arith.addf %dot_general3A_31, %add3A_35 : vector<512x192xf32>
    %integer_pow3A = arith.mulf %add3A_36, %add3A_36 : vector<512x192xf32>
    %integer_pow3A_37 = arith.mulf %add3A_36, %integer_pow3A : vector<512x192xf32>
    %mul3A_38 = arith.constant 4.471500e-02 : f32
    %mul3A_39 = vector.broadcast %mul3A_38 : f32 to vector<512x192xf32>
    %mul3A_40 = arith.mulf %mul3A_39, %integer_pow3A_37 : vector<512x192xf32>
    %add3A_41 = arith.addf %add3A_36, %mul3A_40 : vector<512x192xf32>
    %mul3A_42 = arith.constant 0.797884583 : f32
    %mul3A_43 = vector.broadcast %mul3A_42 : f32 to vector<512x192xf32>
    %mul3A_44 = arith.mulf %mul3A_43, %add3A_41 : vector<512x192xf32>
    %tanh3A = math.tanh %mul3A_44 : vector<512x192xf32>
    %add3A_45 = arith.constant 1.000000e+00 : f32
    %add3A_46 = vector.broadcast %add3A_45 : f32 to vector<512x192xf32>
    %add3A_47 = arith.addf %add3A_46, %tanh3A : vector<512x192xf32>
    %mul3A_48 = arith.constant 5.000000e-01 : f32
    %mul3A_49 = vector.broadcast %mul3A_48 : f32 to vector<512x192xf32>
    %mul3A_50 = arith.mulf %mul3A_49, %add3A_47 : vector<512x192xf32>
    %mul3A_51 = arith.mulf %add3A_36, %mul3A_50 : vector<512x192xf32>
    %get3A_52 = arith.constant 0 : index
    %get3A_53 = arith.constant 0 : index
    %get3A_54 = vector.load %arg6[%get3A_52, %get3A_53] : memref<1x192xf32, #tpu.memory_space<vmem>>, vector<1x192xf32>
    %mul3A_55 = vector.broadcast %get3A_54 : vector<1x192xf32> to vector<512x192xf32>
    %mul3A_56 = arith.mulf %mul3A_51, %mul3A_55 : vector<512x192xf32>
    %reduce_sum3A_57 = arith.constant dense<0.000000e+00> : vector<512xf32>
    %reduce_sum3A_58 = vector.multi_reduction <add>, %mul3A_56, %reduce_sum3A_57 [1] : vector<512x192xf32> to vector<512xf32>
    %broadcast_in_dim3A_59 = vector.shape_cast %reduce_sum3A_58 : vector<512xf32> to vector<512x1xf32>
    %get3A_60 = arith.constant 0 : index
    %get3A_61 = arith.constant 0 : index
    %get3A_62 = vector.load %arg7[%get3A_60, %get3A_61] : memref<1x1xf32, #tpu.memory_space<vmem>>, vector<1x1xf32>
    %get3A_63 = vector.extract %get3A_62[0, 0] : f32 from vector<1x1xf32>
    %add3A_64 = vector.broadcast %get3A_63 : f32 to vector<512x1xf32>
    %add3A_65 = arith.addf %broadcast_in_dim3A_59, %add3A_64 : vector<512x1xf32>
    %swap3A_66 = arith.constant 0 : index
    %swap3A_67 = arith.constant 0 : index
    %swap3A_68 = vector.load %arg9[%swap3A_66, %swap3A_67] : memref<512x1xf32, #tpu.memory_space<vmem>>, vector<512x1xf32>
    tpu.vector_store %arg9[%swap3A_66, %swap3A_67], %add3A_65 {strides = array<i32>} : memref<512x1xf32, #tpu.memory_space<vmem>>, vector<512x1xf32>,
    return
  }
  func.func @transform_0(%arg0: i32) -> (i32, i32) {
    %c0_i32 = arith.constant 0 : i32
    %c0_i32_0 = arith.constant 0 : i32
    return %arg0, %c0_i32 : i32, i32
  }
  func.func @transform_1(%arg0: i32) -> (i32, i32) {
    %c0_i32 = arith.constant 0 : i32
    %c0_i32_0 = arith.constant 0 : i32
    %c0_i32_1 = arith.constant 0 : i32
    return %c0_i32, %c0_i32_0 : i32, i32
  }
  func.func @transform_2(%arg0: i32) -> (i32, i32) {
    %c0_i32 = arith.constant 0 : i32
    %c0_i32_0 = arith.constant 0 : i32
    %c0_i32_1 = arith.constant 0 : i32
    return %c0_i32, %c0_i32_0 : i32, i32
  }
  func.func @transform_3(%arg0: i32) -> (i32, i32) {
    %c0_i32 = arith.constant 0 : i32
    %c0_i32_0 = arith.constant 0 : i32
    %c0_i32_1 = arith.constant 0 : i32
    return %c0_i32, %c0_i32_0 : i32, i32
  }
  func.func @transform_4(%arg0: i32) -> (i32, i32) {
    %c0_i32 = arith.constant 0 : i32
    %c0_i32_0 = arith.constant 0 : i32
    %c0_i32_1 = arith.constant 0 : i32
    return %c0_i32, %c0_i32_0 : i32, i32
  }
  func.func @transform_5(%arg0: i32) -> (i32, i32) {
    %c0_i32 = arith.constant 0 : i32
    %c0_i32_0 = arith.constant 0 : i32
    %c0_i32_1 = arith.constant 0 : i32
    return %c0_i32, %c0_i32_0 : i32, i32
  }
  func.func @transform_6(%arg0: i32) -> (i32, i32) {
    %c0_i32 = arith.constant 0 : i32
    %c0_i32_0 = arith.constant 0 : i32
    %c0_i32_1 = arith.constant 0 : i32
    return %c0_i32, %c0_i32_0 : i32, i32
  }
  func.func @transform_7(%arg0: i32) -> (i32, i32) {
    %c0_i32 = arith.constant 0 : i32
    %c0_i32_0 = arith.constant 0 : i32
    return %arg0, %c0_i32 : i32, i32
  }
  func.func @transform_8(%arg0: i32) -> (i32, i32) {
    %c0_i32 = arith.constant 0 : i32
    %c0_i32_0 = arith.constant 0 : i32
    return %arg0, %c0_i32 : i32, i32
  }
}

module attributes {stable_mosaic.version = 14 : i64} {
  func.func @_ssm_kernel(%arg0: i32, %arg1: i32, %arg2: memref<1x256x768xf32, #tpu.memory_space<vmem>>, %arg3: memref<1x256x768xf32, #tpu.memory_space<vmem>>, %arg4: memref<3072x768xf32, #tpu.memory_space<vmem>>, %arg5: memref<1x3072xf32, #tpu.memory_space<vmem>>, %arg6: memref<4x1536xf32, #tpu.memory_space<vmem>>, %arg7: memref<1x1536xf32, #tpu.memory_space<vmem>>, %arg8: memref<48x1536xf32, #tpu.memory_space<vmem>>, %arg9: memref<16x1536xf32, #tpu.memory_space<vmem>>, %arg10: memref<16x1536xf32, #tpu.memory_space<vmem>>, %arg11: memref<1536x48xf32, #tpu.memory_space<vmem>>, %arg12: memref<1x1536xf32, #tpu.memory_space<vmem>>, %arg13: memref<16x1536xf32, #tpu.memory_space<vmem>>, %arg14: memref<1x1536xf32, #tpu.memory_space<vmem>>, %arg15: memref<768x1536xf32, #tpu.memory_space<vmem>>, %arg16: memref<1x768xf32, #tpu.memory_space<vmem>>, %arg17: memref<1x256x768xf32, #tpu.memory_space<vmem>>, %arg18: memref<16x1536xf32, #tpu.memory_space<vmem>>, %arg19: memref<256x1536xf32, #tpu.memory_space<vmem>>, %arg20: memref<256x1536xf32, #tpu.memory_space<vmem>>, %arg21: memref<256x1536xf32, #tpu.memory_space<vmem>>, %arg22: memref<256x16xf32, #tpu.memory_space<vmem>>, %arg23: memref<256x16xf32, #tpu.memory_space<vmem>>) attributes {dimension_semantics = [#tpu.dimension_semantics<parallel>, #tpu.dimension_semantics<arbitrary>], iteration_bounds = array<i64: 2, 13>, scalar_prefetch = 0 : i64, scratch_operands = 6 : i64, tpu.core_type = #tpu.core_type<tc>, window_params = [{transform_indices = @transform_0, window_bounds = array<i64: 1, 256, 768>}, {transform_indices = @transform_1, window_bounds = array<i64: 1, 256, 768>}, {pipeline_mode = #tpu.pipeline_mode<synchronous>, transform_indices = @transform_2, window_bounds = array<i64: 3072, 768>}, {pipeline_mode = #tpu.pipeline_mode<synchronous>, transform_indices = @transform_3, window_bounds = array<i64: 1, 3072>}, {pipeline_mode = #tpu.pipeline_mode<synchronous>, transform_indices = @transform_4, window_bounds = array<i64: 4, 1536>}, {pipeline_mode = #tpu.pipeline_mode<synchronous>, transform_indices = @transform_5, window_bounds = array<i64: 1, 1536>}, {pipeline_mode = #tpu.pipeline_mode<synchronous>, transform_indices = @transform_6, window_bounds = array<i64: 48, 1536>}, {pipeline_mode = #tpu.pipeline_mode<synchronous>, transform_indices = @transform_7, window_bounds = array<i64: 16, 1536>}, {pipeline_mode = #tpu.pipeline_mode<synchronous>, transform_indices = @transform_8, window_bounds = array<i64: 16, 1536>}, {pipeline_mode = #tpu.pipeline_mode<synchronous>, transform_indices = @transform_9, window_bounds = array<i64: 1536, 48>}, {pipeline_mode = #tpu.pipeline_mode<synchronous>, transform_indices = @transform_10, window_bounds = array<i64: 1, 1536>}, {pipeline_mode = #tpu.pipeline_mode<synchronous>, transform_indices = @transform_11, window_bounds = array<i64: 16, 1536>}, {pipeline_mode = #tpu.pipeline_mode<synchronous>, transform_indices = @transform_12, window_bounds = array<i64: 1, 1536>}, {pipeline_mode = #tpu.pipeline_mode<synchronous>, transform_indices = @transform_13, window_bounds = array<i64: 768, 1536>}, {pipeline_mode = #tpu.pipeline_mode<synchronous>, transform_indices = @transform_14, window_bounds = array<i64: 1, 768>}, {transform_indices = @transform_15, window_bounds = array<i64: 1, 256, 768>}]} {
    %eq3A = arith.constant 0 : i32
    %eq3A_0 = arith.cmpi eq, %arg1, %eq3A : i32
    %convert_element_type3A = arith.extui %eq3A_0 : i1 to i32
    %cond3A = arith.constant 0 : i32
    %cond3A_1 = arith.cmpi ne, %convert_element_type3A, %cond3A : i32
    scf.if %cond3A_1 {
      %broadcast_in_dim3A_165 = arith.constant 0.000000e+00 : f32
      %broadcast_in_dim3A_166 = vector.broadcast %broadcast_in_dim3A_165 : f32 to vector<16x1536xf32>
      %swap3A_167 = arith.constant 0 : index
      %swap3A_168 = arith.constant 0 : index
      %swap3A_169 = vector.load %arg18[%swap3A_167, %swap3A_168] : memref<16x1536xf32, #tpu.memory_space<vmem>>, vector<16x1536xf32>
      tpu.vector_store %arg18[%swap3A_167, %swap3A_168], %broadcast_in_dim3A_166 {strides = array<i32>} : memref<16x1536xf32, #tpu.memory_space<vmem>>, vector<16x1536xf32>,
    } else {
    }
    %get3A = arith.constant 0 : index
    %get3A_2 = arith.constant 0 : index
    %get3A_3 = arith.constant 0 : index
    %get3A_4 = vector.load %arg2[%get3A, %get3A_2, %get3A_3] : memref<1x256x768xf32, #tpu.memory_space<vmem>>, vector<1x256x768xf32>
    %get3A_5 = vector.shape_cast %get3A_4 : vector<1x256x768xf32> to vector<256x768xf32>
    %get3A_6 = arith.constant 0 : index
    %get3A_7 = arith.constant 0 : index
    %get3A_8 = vector.load %arg4[%get3A_6, %get3A_7] : memref<3072x768xf32, #tpu.memory_space<vmem>>, vector<3072x768xf32>
    %dot_general3A = arith.constant dense<0.000000e+00> : vector<256x3072xf32>
    %dot_general3A_9 = tpu.matmul %get3A_5, %get3A_8, %dot_general3A {dimension_numbers = #tpu.dot_dimension_numbers<[1], [1], [0], [0], [0, 0, 1, 0], [], []>, transpose_lhs_hint = false} : vector<256x768xf32>, vector<3072x768xf32>, vector<256x3072xf32> -> vector<256x3072xf32>
    %get3A_10 = arith.constant 0 : index
    %get3A_11 = arith.constant 0 : index
    %get3A_12 = vector.load %arg5[%get3A_10, %get3A_11] : memref<1x3072xf32, #tpu.memory_space<vmem>>, vector<1x3072xf32>
    %add3A = vector.broadcast %get3A_12 : vector<1x3072xf32> to vector<256x3072xf32>
    %add3A_13 = arith.addf %dot_general3A_9, %add3A : vector<256x3072xf32>
    %slice3A = vector.extract_strided_slice %add3A_13 {offsets = [0, 0], sizes = [256, 1536], strides = [1, 1]} : vector<256x3072xf32> to vector<256x1536xf32>
    %slice3A_14 = vector.extract_strided_slice %add3A_13 {offsets = [0, 1536], sizes = [256, 1536], strides = [1, 1]} : vector<256x3072xf32> to vector<256x1536xf32>
    %get3A_15 = arith.constant 0 : index
    %get3A_16 = arith.constant 253 : index
    %get3A_17 = arith.constant 0 : index
    %get3A_18 = vector.load %arg3[%get3A_15, %get3A_16, %get3A_17] : memref<1x256x768xf32, #tpu.memory_space<vmem>>, vector<1x3x768xf32>
    %get3A_19 = vector.shape_cast %get3A_18 : vector<1x3x768xf32> to vector<3x768xf32>
    %get3A_20 = arith.constant 0 : index
    %get3A_21 = arith.constant 0 : index
    %get3A_22 = vector.load %arg4[%get3A_20, %get3A_21] : memref<3072x768xf32, #tpu.memory_space<vmem>>, vector<1536x768xf32>
    %dot_general3A_23 = arith.constant dense<0.000000e+00> : vector<3x1536xf32>
    %dot_general3A_24 = tpu.matmul %get3A_19, %get3A_22, %dot_general3A_23 {dimension_numbers = #tpu.dot_dimension_numbers<[1], [1], [0], [0], [0, 0, 1, 0], [], []>, transpose_lhs_hint = false} : vector<3x768xf32>, vector<1536x768xf32>, vector<3x1536xf32> -> vector<3x1536xf32>
    %get3A_25 = arith.constant 0 : index
    %get3A_26 = arith.constant 0 : index
    %get3A_27 = vector.load %arg5[%get3A_25, %get3A_26] : memref<1x3072xf32, #tpu.memory_space<vmem>>, vector<1x1536xf32>
    %add3A_28 = vector.broadcast %get3A_27 : vector<1x1536xf32> to vector<3x1536xf32>
    %add3A_29 = arith.addf %dot_general3A_24, %add3A_28 : vector<3x1536xf32>
    %eq3A_30 = arith.constant 0 : i32
    %eq3A_31 = arith.cmpi eq, %arg1, %eq3A_30 : i32
    %broadcast_in_dim3A = arith.constant 0.000000e+00 : f32
    %broadcast_in_dim3A_32 = vector.broadcast %broadcast_in_dim3A : f32 to vector<3x1536xf32>
    %select_n3A = arith.select %eq3A_31, %broadcast_in_dim3A_32, %add3A_29 : vector<3x1536xf32>
    %concatenate3A = tpu.concatenate %select_n3A, %slice3A in 0 : vector<3x1536xf32>, vector<256x1536xf32> -> vector<259x1536xf32>
    %broadcast_in_dim3A_33 = arith.constant 0.000000e+00 : f32
    %broadcast_in_dim3A_34 = vector.broadcast %broadcast_in_dim3A_33 : f32 to vector<256x1536xf32>
    %slice3A_35 = vector.extract_strided_slice %concatenate3A {offsets = [0, 0], sizes = [256, 1536], strides = [1, 1]} : vector<259x1536xf32> to vector<256x1536xf32>
    %get3A_36 = arith.constant 0 : index
    %get3A_37 = arith.constant 0 : index
    %get3A_38 = vector.load %arg6[%get3A_36, %get3A_37] : memref<4x1536xf32, #tpu.memory_space<vmem>>, vector<1x1536xf32>
    %mul3A = vector.broadcast %get3A_38 : vector<1x1536xf32> to vector<256x1536xf32>
    %mul3A_39 = arith.mulf %slice3A_35, %mul3A : vector<256x1536xf32>
    %add3A_40 = arith.addf %broadcast_in_dim3A_34, %mul3A_39 : vector<256x1536xf32>
    %slice3A_41 = vector.extract_strided_slice %concatenate3A {offsets = [1, 0], sizes = [256, 1536], strides = [1, 1]} : vector<259x1536xf32> to vector<256x1536xf32>
    %get3A_42 = arith.constant 1 : index
    %get3A_43 = arith.constant 0 : index
    %get3A_44 = vector.load %arg6[%get3A_42, %get3A_43] : memref<4x1536xf32, #tpu.memory_space<vmem>>, vector<1x1536xf32>
    %mul3A_45 = vector.broadcast %get3A_44 : vector<1x1536xf32> to vector<256x1536xf32>
    %mul3A_46 = arith.mulf %slice3A_41, %mul3A_45 : vector<256x1536xf32>
    %add3A_47 = arith.addf %add3A_40, %mul3A_46 : vector<256x1536xf32>
    %slice3A_48 = vector.extract_strided_slice %concatenate3A {offsets = [2, 0], sizes = [256, 1536], strides = [1, 1]} : vector<259x1536xf32> to vector<256x1536xf32>
    %get3A_49 = arith.constant 2 : index
    %get3A_50 = arith.constant 0 : index
    %get3A_51 = vector.load %arg6[%get3A_49, %get3A_50] : memref<4x1536xf32, #tpu.memory_space<vmem>>, vector<1x1536xf32>
    %mul3A_52 = vector.broadcast %get3A_51 : vector<1x1536xf32> to vector<256x1536xf32>
    %mul3A_53 = arith.mulf %slice3A_48, %mul3A_52 : vector<256x1536xf32>
    %add3A_54 = arith.addf %add3A_47, %mul3A_53 : vector<256x1536xf32>
    %slice3A_55 = vector.extract_strided_slice %concatenate3A {offsets = [3, 0], sizes = [256, 1536], strides = [1, 1]} : vector<259x1536xf32> to vector<256x1536xf32>
    %get3A_56 = arith.constant 3 : index
    %get3A_57 = arith.constant 0 : index
    %get3A_58 = vector.load %arg6[%get3A_56, %get3A_57] : memref<4x1536xf32, #tpu.memory_space<vmem>>, vector<1x1536xf32>
    %mul3A_59 = vector.broadcast %get3A_58 : vector<1x1536xf32> to vector<256x1536xf32>
    %mul3A_60 = arith.mulf %slice3A_55, %mul3A_59 : vector<256x1536xf32>
    %add3A_61 = arith.addf %add3A_54, %mul3A_60 : vector<256x1536xf32>
    %get3A_62 = arith.constant 0 : index
    %get3A_63 = arith.constant 0 : index
    %get3A_64 = vector.load %arg7[%get3A_62, %get3A_63] : memref<1x1536xf32, #tpu.memory_space<vmem>>, vector<1x1536xf32>
    %add3A_65 = vector.broadcast %get3A_64 : vector<1x1536xf32> to vector<256x1536xf32>
    %add3A_66 = arith.addf %add3A_61, %add3A_65 : vector<256x1536xf32>
    %logistic3A = arith.negf %add3A_66 : vector<256x1536xf32>
    %logistic3A_67 = math.exp %logistic3A : vector<256x1536xf32>
    %logistic3A_68 = arith.constant 1.000000e+00 : f32
    %logistic3A_69 = vector.broadcast %logistic3A_68 : f32 to vector<256x1536xf32>
    %logistic3A_70 = arith.addf %logistic3A_69, %logistic3A_67 : vector<256x1536xf32>
    %logistic3A_71 = arith.divf %logistic3A_69, %logistic3A_70 : vector<256x1536xf32>
    %mul3A_72 = arith.mulf %add3A_66, %logistic3A_71 : vector<256x1536xf32>
    %get3A_73 = arith.constant 0 : index
    %get3A_74 = arith.constant 0 : index
    %get3A_75 = vector.load %arg8[%get3A_73, %get3A_74] : memref<48x1536xf32, #tpu.memory_space<vmem>>, vector<48x1536xf32>
    %dot_general3A_76 = arith.constant dense<0.000000e+00> : vector<256x48xf32>
    %dot_general3A_77 = tpu.matmul %mul3A_72, %get3A_75, %dot_general3A_76 {dimension_numbers = #tpu.dot_dimension_numbers<[1], [1], [0], [0], [0, 0, 1, 0], [], []>, transpose_lhs_hint = false} : vector<256x1536xf32>, vector<48x1536xf32>, vector<256x48xf32> -> vector<256x48xf32>
    %get3A_78 = arith.constant 0 : index
    %get3A_79 = arith.constant 0 : index
    %get3A_80 = vector.load %arg9[%get3A_78, %get3A_79] : memref<16x1536xf32, #tpu.memory_space<vmem>>, vector<16x1536xf32>
    %dot_general3A_81 = arith.constant dense<0.000000e+00> : vector<256x16xf32>
    %dot_general3A_82 = tpu.matmul %mul3A_72, %get3A_80, %dot_general3A_81 {dimension_numbers = #tpu.dot_dimension_numbers<[1], [1], [0], [0], [0, 0, 1, 0], [], []>, transpose_lhs_hint = false} : vector<256x1536xf32>, vector<16x1536xf32>, vector<256x16xf32> -> vector<256x16xf32>
    %swap3A = arith.constant 0 : index
    %swap3A_83 = arith.constant 0 : index
    %swap3A_84 = vector.load %arg22[%swap3A, %swap3A_83] : memref<256x16xf32, #tpu.memory_space<vmem>>, vector<256x16xf32>
    tpu.vector_store %arg22[%swap3A, %swap3A_83], %dot_general3A_82 {strides = array<i32>} : memref<256x16xf32, #tpu.memory_space<vmem>>, vector<256x16xf32>,
    %get3A_85 = arith.constant 0 : index
    %get3A_86 = arith.constant 0 : index
    %get3A_87 = vector.load %arg10[%get3A_85, %get3A_86] : memref<16x1536xf32, #tpu.memory_space<vmem>>, vector<16x1536xf32>
    %dot_general3A_88 = arith.constant dense<0.000000e+00> : vector<256x16xf32>
    %dot_general3A_89 = tpu.matmul %mul3A_72, %get3A_87, %dot_general3A_88 {dimension_numbers = #tpu.dot_dimension_numbers<[1], [1], [0], [0], [0, 0, 1, 0], [], []>, transpose_lhs_hint = false} : vector<256x1536xf32>, vector<16x1536xf32>, vector<256x16xf32> -> vector<256x16xf32>
    %swap3A_90 = arith.constant 0 : index
    %swap3A_91 = arith.constant 0 : index
    %swap3A_92 = vector.load %arg23[%swap3A_90, %swap3A_91] : memref<256x16xf32, #tpu.memory_space<vmem>>, vector<256x16xf32>
    tpu.vector_store %arg23[%swap3A_90, %swap3A_91], %dot_general3A_89 {strides = array<i32>} : memref<256x16xf32, #tpu.memory_space<vmem>>, vector<256x16xf32>,
    %get3A_93 = arith.constant 0 : index
    %get3A_94 = arith.constant 0 : index
    %get3A_95 = vector.load %arg11[%get3A_93, %get3A_94] : memref<1536x48xf32, #tpu.memory_space<vmem>>, vector<1536x48xf32>
    %dot_general3A_96 = arith.constant dense<0.000000e+00> : vector<256x1536xf32>
    %dot_general3A_97 = tpu.matmul %dot_general3A_77, %get3A_95, %dot_general3A_96 {dimension_numbers = #tpu.dot_dimension_numbers<[1], [1], [0], [0], [0, 0, 1, 0], [], []>, transpose_lhs_hint = false} : vector<256x48xf32>, vector<1536x48xf32>, vector<256x1536xf32> -> vector<256x1536xf32>
    %get3A_98 = arith.constant 0 : index
    %get3A_99 = arith.constant 0 : index
    %get3A_100 = vector.load %arg12[%get3A_98, %get3A_99] : memref<1x1536xf32, #tpu.memory_space<vmem>>, vector<1x1536xf32>
    %add3A_101 = vector.broadcast %get3A_100 : vector<1x1536xf32> to vector<256x1536xf32>
    %add3A_102 = arith.addf %dot_general3A_97, %add3A_101 : vector<256x1536xf32>
    %custom_jvp_call3A = arith.constant 0.000000e+00 : f32
    %max3A = vector.broadcast %custom_jvp_call3A : f32 to vector<256x1536xf32>
    %max3A_103 = arith.maximumf %add3A_102, %max3A : vector<256x1536xf32>
    %sub3A = vector.broadcast %custom_jvp_call3A : f32 to vector<256x1536xf32>
    %sub3A_104 = arith.subf %add3A_102, %sub3A : vector<256x1536xf32>
    %ne3A = arith.cmpf one, %sub3A_104, %sub3A_104 : vector<256x1536xf32>
    %add3A_105 = vector.broadcast %custom_jvp_call3A : f32 to vector<256x1536xf32>
    %add3A_106 = arith.addf %add3A_102, %add3A_105 : vector<256x1536xf32>
    %abs3A = math.absf %sub3A_104 : vector<256x1536xf32>
    %neg3A = arith.constant 0.000000e+00 : f32
    %neg3A_107 = vector.broadcast %neg3A : f32 to vector<256x1536xf32>
    %neg3A_108 = arith.subf %neg3A_107, %abs3A : vector<256x1536xf32>
    %exp3A = math.exp %neg3A_108 : vector<256x1536xf32>
    %log1p3A = math.log1p %exp3A : vector<256x1536xf32>
    %add3A_109 = arith.addf %max3A_103, %log1p3A : vector<256x1536xf32>
    %select_n3A_110 = arith.select %ne3A, %add3A_106, %add3A_109 : vector<256x1536xi1>, vector<256x1536xf32>
    %swap3A_111 = arith.constant 0 : index
    %swap3A_112 = arith.constant 0 : index
    %swap3A_113 = vector.load %arg20[%swap3A_111, %swap3A_112] : memref<256x1536xf32, #tpu.memory_space<vmem>>, vector<256x1536xf32>
    tpu.vector_store %arg20[%swap3A_111, %swap3A_112], %select_n3A_110 {strides = array<i32>} : memref<256x1536xf32, #tpu.memory_space<vmem>>, vector<256x1536xf32>,
    %mul3A_114 = arith.mulf %select_n3A_110, %mul3A_72 : vector<256x1536xf32>
    %swap3A_115 = arith.constant 0 : index
    %swap3A_116 = arith.constant 0 : index
    %swap3A_117 = vector.load %arg21[%swap3A_115, %swap3A_116] : memref<256x1536xf32, #tpu.memory_space<vmem>>, vector<256x1536xf32>
    tpu.vector_store %arg21[%swap3A_115, %swap3A_116], %mul3A_114 {strides = array<i32>} : memref<256x1536xf32, #tpu.memory_space<vmem>>, vector<256x1536xf32>,
    %get3A_118 = arith.constant 0 : index
    %get3A_119 = arith.constant 0 : index
    %get3A_120 = vector.load %arg13[%get3A_118, %get3A_119] : memref<16x1536xf32, #tpu.memory_space<vmem>>, vector<16x1536xf32>
    %get3A_121 = arith.constant 0 : index
    %get3A_122 = arith.constant 0 : index
    %get3A_123 = vector.load %arg18[%get3A_121, %get3A_122] : memref<16x1536xf32, #tpu.memory_space<vmem>>, vector<16x1536xf32>
    %scan3A = arith.constant 0 : i32
    %scan3A_124 = arith.constant 256 : i32
    %scan3A_125 = arith.addi %scan3A, %scan3A_124 : i32
    %scan3A_126 = arith.constant 1 : i32
    %scan3A_127 = scf.for %scan3A_165 = %scan3A to %scan3A_125 step %scan3A_126 iter_args(%scan3A_166 = %get3A_123) -> (vector<16x1536xf32>)  : i32 {
      %get3A_167 = arith.index_cast %scan3A_165 : i32 to index
      %get3A_168 = arith.constant 0 : index
      %get3A_169 = vector.load %arg20[%get3A_167, %get3A_168] : memref<256x1536xf32, #tpu.memory_space<vmem>>, vector<1x1536xf32>
      %get3A_170 = arith.index_cast %scan3A_165 : i32 to index
      %get3A_171 = arith.constant 0 : index
      %get3A_172 = vector.load %arg21[%get3A_170, %get3A_171] : memref<256x1536xf32, #tpu.memory_space<vmem>>, vector<1x1536xf32>
      %get3A_173 = arith.index_cast %scan3A_165 : i32 to index
      %get3A_174 = arith.constant 0 : index
      %get3A_175 = vector.load %arg22[%get3A_173, %get3A_174] : memref<256x16xf32, #tpu.memory_space<vmem>>, vector<1x16xf32>
      %get3A_176 = arith.index_cast %scan3A_165 : i32 to index
      %get3A_177 = arith.constant 0 : index
      %get3A_178 = vector.load %arg23[%get3A_176, %get3A_177] : memref<256x16xf32, #tpu.memory_space<vmem>>, vector<1x16xf32>
      %mul3A_179 = vector.broadcast %get3A_169 : vector<1x1536xf32> to vector<16x1536xf32>
      %mul3A_180 = arith.mulf %mul3A_179, %get3A_120 : vector<16x1536xf32>
      %exp3A_181 = math.exp %mul3A_180 : vector<16x1536xf32>
      %dot_general3A_182 = arith.constant dense<0.000000e+00> : vector<16x1536xf32>
      %dot_general3A_183 = tpu.matmul %get3A_175, %get3A_172, %dot_general3A_182 {dimension_numbers = #tpu.dot_dimension_numbers<[0], [0], [1], [1], [0, 1, 1, 1], [], []>, transpose_lhs_hint = false} : vector<1x16xf32>, vector<1x1536xf32>, vector<16x1536xf32> -> vector<16x1536xf32>
      %mul3A_184 = arith.mulf %exp3A_181, %scan3A_166 : vector<16x1536xf32>
      %add3A_185 = arith.addf %mul3A_184, %dot_general3A_183 : vector<16x1536xf32>
      %dot_general3A_186 = arith.constant dense<0.000000e+00> : vector<1x1536xf32>
      %dot_general3A_187 = tpu.matmul %get3A_178, %add3A_185, %dot_general3A_186 {dimension_numbers = #tpu.dot_dimension_numbers<[1], [0], [0], [1], [0, 0, 1, 1], [], []>, transpose_lhs_hint = false} : vector<1x16xf32>, vector<16x1536xf32>, vector<1x1536xf32> -> vector<1x1536xf32>
      %swap3A_188 = arith.index_cast %scan3A_165 : i32 to index
      %swap3A_189 = arith.constant 0 : index
      %swap3A_190 = vector.load %arg19[%swap3A_188, %swap3A_189] : memref<256x1536xf32, #tpu.memory_space<vmem>>, vector<1x1536xf32>
      tpu.vector_store %arg19[%swap3A_188, %swap3A_189], %dot_general3A_187 {strides = array<i32>} : memref<256x1536xf32, #tpu.memory_space<vmem>>, vector<1x1536xf32>,
      scf.yield %add3A_185 : vector<16x1536xf32>
    }
    %scan3A_128 = arith.constant 256 : i32
    %swap3A_129 = arith.constant 0 : index
    %swap3A_130 = arith.constant 0 : index
    %swap3A_131 = vector.load %arg18[%swap3A_129, %swap3A_130] : memref<16x1536xf32, #tpu.memory_space<vmem>>, vector<16x1536xf32>
    tpu.vector_store %arg18[%swap3A_129, %swap3A_130], %scan3A_127 {strides = array<i32>} : memref<16x1536xf32, #tpu.memory_space<vmem>>, vector<16x1536xf32>,
    %get3A_132 = arith.constant 0 : index
    %get3A_133 = arith.constant 0 : index
    %get3A_134 = vector.load %arg19[%get3A_132, %get3A_133] : memref<256x1536xf32, #tpu.memory_space<vmem>>, vector<256x1536xf32>
    %get3A_135 = arith.constant 0 : index
    %get3A_136 = arith.constant 0 : index
    %get3A_137 = vector.load %arg14[%get3A_135, %get3A_136] : memref<1x1536xf32, #tpu.memory_space<vmem>>, vector<1x1536xf32>
    %mul3A_138 = vector.broadcast %get3A_137 : vector<1x1536xf32> to vector<256x1536xf32>
    %mul3A_139 = arith.mulf %mul3A_72, %mul3A_138 : vector<256x1536xf32>
    %add3A_140 = arith.addf %get3A_134, %mul3A_139 : vector<256x1536xf32>
    %logistic3A_141 = arith.negf %slice3A_14 : vector<256x1536xf32>
    %logistic3A_142 = math.exp %logistic3A_141 : vector<256x1536xf32>
    %logistic3A_143 = arith.constant 1.000000e+00 : f32
    %logistic3A_144 = vector.broadcast %logistic3A_143 : f32 to vector<256x1536xf32>
    %logistic3A_145 = arith.addf %logistic3A_144, %logistic3A_142 : vector<256x1536xf32>
    %logistic3A_146 = arith.divf %logistic3A_144, %logistic3A_145 : vector<256x1536xf32>
    %mul3A_147 = arith.mulf %slice3A_14, %logistic3A_146 : vector<256x1536xf32>
    %mul3A_148 = arith.mulf %add3A_140, %mul3A_147 : vector<256x1536xf32>
    %get3A_149 = arith.constant 0 : index
    %get3A_150 = arith.constant 0 : index
    %get3A_151 = vector.load %arg15[%get3A_149, %get3A_150] : memref<768x1536xf32, #tpu.memory_space<vmem>>, vector<768x1536xf32>
    %dot_general3A_152 = arith.constant dense<0.000000e+00> : vector<256x768xf32>
    %dot_general3A_153 = tpu.matmul %mul3A_148, %get3A_151, %dot_general3A_152 {dimension_numbers = #tpu.dot_dimension_numbers<[1], [1], [0], [0], [0, 0, 1, 0], [], []>, transpose_lhs_hint = false} : vector<256x1536xf32>, vector<768x1536xf32>, vector<256x768xf32> -> vector<256x768xf32>
    %get3A_154 = arith.constant 0 : index
    %get3A_155 = arith.constant 0 : index
    %get3A_156 = vector.load %arg16[%get3A_154, %get3A_155] : memref<1x768xf32, #tpu.memory_space<vmem>>, vector<1x768xf32>
    %add3A_157 = vector.broadcast %get3A_156 : vector<1x768xf32> to vector<256x768xf32>
    %add3A_158 = arith.addf %dot_general3A_153, %add3A_157 : vector<256x768xf32>
    %swap3A_159 = arith.constant 0 : index
    %swap3A_160 = arith.constant 0 : index
    %swap3A_161 = arith.constant 0 : index
    %swap3A_162 = vector.load %arg17[%swap3A_159, %swap3A_160, %swap3A_161] : memref<1x256x768xf32, #tpu.memory_space<vmem>>, vector<1x256x768xf32>
    %swap3A_163 = vector.shape_cast %swap3A_162 : vector<1x256x768xf32> to vector<256x768xf32>
    %swap3A_164 = vector.shape_cast %add3A_158 : vector<256x768xf32> to vector<1x256x768xf32>
    tpu.vector_store %arg17[%swap3A_159, %swap3A_160, %swap3A_161], %swap3A_164 {strides = array<i32>} : memref<1x256x768xf32, #tpu.memory_space<vmem>>, vector<1x256x768xf32>,
    return
  }
  func.func @transform_0(%arg0: i32, %arg1: i32) -> (i32, i32, i32) {
    %c0_i32 = arith.constant 0 : i32
    %c0_i32_0 = arith.constant 0 : i32
    return %arg0, %arg1, %c0_i32 : i32, i32, i32
  }
  func.func @transform_1(%arg0: i32, %arg1: i32) -> (i32, i32, i32) {
    %sub3A = arith.constant 1 : i32
    %sub3A_0 = arith.subi %arg1, %sub3A : i32
    %max3A = arith.constant 0 : i32
    %max3A_1 = arith.maxsi %sub3A_0, %max3A : i32
    %c0_i32 = arith.constant 0 : i32
    %c0_i32_2 = arith.constant 0 : i32
    return %arg0, %max3A_1, %c0_i32 : i32, i32, i32
  }
  func.func @transform_2(%arg0: i32, %arg1: i32) -> (i32, i32) {
    %c0_i32 = arith.constant 0 : i32
    %c0_i32_0 = arith.constant 0 : i32
    %c0_i32_1 = arith.constant 0 : i32
    return %c0_i32, %c0_i32_0 : i32, i32
  }
  func.func @transform_3(%arg0: i32, %arg1: i32) -> (i32, i32) {
    %c0_i32 = arith.constant 0 : i32
    %c0_i32_0 = arith.constant 0 : i32
    %c0_i32_1 = arith.constant 0 : i32
    return %c0_i32, %c0_i32_0 : i32, i32
  }
  func.func @transform_4(%arg0: i32, %arg1: i32) -> (i32, i32) {
    %c0_i32 = arith.constant 0 : i32
    %c0_i32_0 = arith.constant 0 : i32
    %c0_i32_1 = arith.constant 0 : i32
    return %c0_i32, %c0_i32_0 : i32, i32
  }
  func.func @transform_5(%arg0: i32, %arg1: i32) -> (i32, i32) {
    %c0_i32 = arith.constant 0 : i32
    %c0_i32_0 = arith.constant 0 : i32
    %c0_i32_1 = arith.constant 0 : i32
    return %c0_i32, %c0_i32_0 : i32, i32
  }
  func.func @transform_6(%arg0: i32, %arg1: i32) -> (i32, i32) {
    %c0_i32 = arith.constant 0 : i32
    %c0_i32_0 = arith.constant 0 : i32
    %c0_i32_1 = arith.constant 0 : i32
    return %c0_i32, %c0_i32_0 : i32, i32
  }
  func.func @transform_7(%arg0: i32, %arg1: i32) -> (i32, i32) {
    %c0_i32 = arith.constant 0 : i32
    %c0_i32_0 = arith.constant 0 : i32
    %c0_i32_1 = arith.constant 0 : i32
    return %c0_i32, %c0_i32_0 : i32, i32
  }
  func.func @transform_8(%arg0: i32, %arg1: i32) -> (i32, i32) {
    %c0_i32 = arith.constant 0 : i32
    %c0_i32_0 = arith.constant 0 : i32
    %c0_i32_1 = arith.constant 0 : i32
    return %c0_i32, %c0_i32_0 : i32, i32
  }
  func.func @transform_9(%arg0: i32, %arg1: i32) -> (i32, i32) {
    %c0_i32 = arith.constant 0 : i32
    %c0_i32_0 = arith.constant 0 : i32
    %c0_i32_1 = arith.constant 0 : i32
    return %c0_i32, %c0_i32_0 : i32, i32
  }
  func.func @transform_10(%arg0: i32, %arg1: i32) -> (i32, i32) {
    %c0_i32 = arith.constant 0 : i32
    %c0_i32_0 = arith.constant 0 : i32
    %c0_i32_1 = arith.constant 0 : i32
    return %c0_i32, %c0_i32_0 : i32, i32
  }
  func.func @transform_11(%arg0: i32, %arg1: i32) -> (i32, i32) {
    %c0_i32 = arith.constant 0 : i32
    %c0_i32_0 = arith.constant 0 : i32
    %c0_i32_1 = arith.constant 0 : i32
    return %c0_i32, %c0_i32_0 : i32, i32
  }
  func.func @transform_12(%arg0: i32, %arg1: i32) -> (i32, i32) {
    %c0_i32 = arith.constant 0 : i32
    %c0_i32_0 = arith.constant 0 : i32
    %c0_i32_1 = arith.constant 0 : i32
    return %c0_i32, %c0_i32_0 : i32, i32
  }
  func.func @transform_13(%arg0: i32, %arg1: i32) -> (i32, i32) {
    %c0_i32 = arith.constant 0 : i32
    %c0_i32_0 = arith.constant 0 : i32
    %c0_i32_1 = arith.constant 0 : i32
    return %c0_i32, %c0_i32_0 : i32, i32
  }
  func.func @transform_14(%arg0: i32, %arg1: i32) -> (i32, i32) {
    %c0_i32 = arith.constant 0 : i32
    %c0_i32_0 = arith.constant 0 : i32
    %c0_i32_1 = arith.constant 0 : i32
    return %c0_i32, %c0_i32_0 : i32, i32
  }
  func.func @transform_15(%arg0: i32, %arg1: i32) -> (i32, i32, i32) {
    %c0_i32 = arith.constant 0 : i32
    %c0_i32_0 = arith.constant 0 : i32
    return %arg0, %arg1, %c0_i32 : i32, i32, i32
  }
}

module attributes {stable_mosaic.version = 14 : i64} {
  func.func @_attn_kernel(%arg0: i32, %arg1: i32, %arg2: memref<1x896x768xf32, #tpu.memory_space<vmem>>, %arg3: memref<64x768xf32, #tpu.memory_space<vmem>>, %arg4: memref<64x768xf32, #tpu.memory_space<vmem>>, %arg5: memref<64x768xf32, #tpu.memory_space<vmem>>, %arg6: memref<1x1x64xf32, #tpu.memory_space<vmem>>, %arg7: memref<1x1x64xf32, #tpu.memory_space<vmem>>, %arg8: memref<1x1x64xf32, #tpu.memory_space<vmem>>, %arg9: memref<1x64x768xf32, #tpu.memory_space<vmem>>, %arg10: memref<1x768xf32, #tpu.memory_space<vmem>>, %arg11: memref<1x896x768xf32, #tpu.memory_space<vmem>>) attributes {dimension_semantics = [#tpu.dimension_semantics<parallel>, #tpu.dimension_semantics<arbitrary>], iteration_bounds = array<i64: 2, 12>, scalar_prefetch = 0 : i64, scratch_operands = 0 : i64, tpu.core_type = #tpu.core_type<tc>, window_params = [{transform_indices = @transform_0, window_bounds = array<i64: 1, 896, 768>}, {transform_indices = @transform_1, window_bounds = array<i64: 64, 768>}, {transform_indices = @transform_2, window_bounds = array<i64: 64, 768>}, {transform_indices = @transform_3, window_bounds = array<i64: 64, 768>}, {transform_indices = @transform_4, window_bounds = array<i64: 1, 1, 64>}, {transform_indices = @transform_5, window_bounds = array<i64: 1, 1, 64>}, {transform_indices = @transform_6, window_bounds = array<i64: 1, 1, 64>}, {transform_indices = @transform_7, window_bounds = array<i64: 1, 64, 768>}, {pipeline_mode = #tpu.pipeline_mode<synchronous>, transform_indices = @transform_8, window_bounds = array<i64: 1, 768>}, {transform_indices = @transform_9, window_bounds = array<i64: 1, 896, 768>}]} {
    %get3A = arith.constant 0 : index
    %get3A_0 = arith.constant 0 : index
    %get3A_1 = arith.constant 0 : index
    %get3A_2 = vector.load %arg2[%get3A, %get3A_0, %get3A_1] : memref<1x896x768xf32, #tpu.memory_space<vmem>>, vector<1x896x768xf32>
    %get3A_3 = vector.shape_cast %get3A_2 : vector<1x896x768xf32> to vector<896x768xf32>
    %get3A_4 = arith.constant 0 : index
    %get3A_5 = arith.constant 0 : index
    %get3A_6 = vector.load %arg3[%get3A_4, %get3A_5] : memref<64x768xf32, #tpu.memory_space<vmem>>, vector<64x768xf32>
    %dot_general3A = arith.constant dense<0.000000e+00> : vector<896x64xf32>
    %dot_general3A_7 = tpu.matmul %get3A_3, %get3A_6, %dot_general3A {dimension_numbers = #tpu.dot_dimension_numbers<[1], [1], [0], [0], [0, 0, 1, 0], [], []>, transpose_lhs_hint = false} : vector<896x768xf32>, vector<64x768xf32>, vector<896x64xf32> -> vector<896x64xf32>
    %get3A_8 = arith.constant 0 : index
    %get3A_9 = arith.constant 0 : index
    %get3A_10 = arith.constant 0 : index
    %get3A_11 = vector.load %arg6[%get3A_8, %get3A_9, %get3A_10] : memref<1x1x64xf32, #tpu.memory_space<vmem>>, vector<1x1x64xf32>
    %get3A_12 = vector.shape_cast %get3A_11 : vector<1x1x64xf32> to vector<1x64xf32>
    %add3A = vector.broadcast %get3A_12 : vector<1x64xf32> to vector<896x64xf32>
    %add3A_13 = arith.addf %dot_general3A_7, %add3A : vector<896x64xf32>
    %get3A_14 = arith.constant 0 : index
    %get3A_15 = arith.constant 0 : index
    %get3A_16 = vector.load %arg4[%get3A_14, %get3A_15] : memref<64x768xf32, #tpu.memory_space<vmem>>, vector<64x768xf32>
    %dot_general3A_17 = arith.constant dense<0.000000e+00> : vector<896x64xf32>
    %dot_general3A_18 = tpu.matmul %get3A_3, %get3A_16, %dot_general3A_17 {dimension_numbers = #tpu.dot_dimension_numbers<[1], [1], [0], [0], [0, 0, 1, 0], [], []>, transpose_lhs_hint = false} : vector<896x768xf32>, vector<64x768xf32>, vector<896x64xf32> -> vector<896x64xf32>
    %get3A_19 = arith.constant 0 : index
    %get3A_20 = arith.constant 0 : index
    %get3A_21 = arith.constant 0 : index
    %get3A_22 = vector.load %arg7[%get3A_19, %get3A_20, %get3A_21] : memref<1x1x64xf32, #tpu.memory_space<vmem>>, vector<1x1x64xf32>
    %get3A_23 = vector.shape_cast %get3A_22 : vector<1x1x64xf32> to vector<1x64xf32>
    %add3A_24 = vector.broadcast %get3A_23 : vector<1x64xf32> to vector<896x64xf32>
    %add3A_25 = arith.addf %dot_general3A_18, %add3A_24 : vector<896x64xf32>
    %get3A_26 = arith.constant 0 : index
    %get3A_27 = arith.constant 0 : index
    %get3A_28 = vector.load %arg5[%get3A_26, %get3A_27] : memref<64x768xf32, #tpu.memory_space<vmem>>, vector<64x768xf32>
    %dot_general3A_29 = arith.constant dense<0.000000e+00> : vector<896x64xf32>
    %dot_general3A_30 = tpu.matmul %get3A_3, %get3A_28, %dot_general3A_29 {dimension_numbers = #tpu.dot_dimension_numbers<[1], [1], [0], [0], [0, 0, 1, 0], [], []>, transpose_lhs_hint = false} : vector<896x768xf32>, vector<64x768xf32>, vector<896x64xf32> -> vector<896x64xf32>
    %get3A_31 = arith.constant 0 : index
    %get3A_32 = arith.constant 0 : index
    %get3A_33 = arith.constant 0 : index
    %get3A_34 = vector.load %arg8[%get3A_31, %get3A_32, %get3A_33] : memref<1x1x64xf32, #tpu.memory_space<vmem>>, vector<1x1x64xf32>
    %get3A_35 = vector.shape_cast %get3A_34 : vector<1x1x64xf32> to vector<1x64xf32>
    %add3A_36 = vector.broadcast %get3A_35 : vector<1x64xf32> to vector<896x64xf32>
    %add3A_37 = arith.addf %dot_general3A_30, %add3A_36 : vector<896x64xf32>
    %dot_general3A_38 = arith.constant dense<0.000000e+00> : vector<896x896xf32>
    %dot_general3A_39 = tpu.matmul %add3A_13, %add3A_25, %dot_general3A_38 {dimension_numbers = #tpu.dot_dimension_numbers<[1], [1], [0], [0], [0, 0, 1, 0], [], []>, transpose_lhs_hint = false} : vector<896x64xf32>, vector<896x64xf32>, vector<896x896xf32> -> vector<896x896xf32>
    %mul3A = arith.constant 1.250000e-01 : f32
    %mul3A_40 = vector.broadcast %mul3A : f32 to vector<896x896xf32>
    %mul3A_41 = arith.mulf %dot_general3A_39, %mul3A_40 : vector<896x896xf32>
    %iota3A = tpu.iota {dimensions = array<i32: 1>} : vector<896x896xi32>
    %ge3A = arith.constant 819 : i32
    %ge3A_42 = vector.broadcast %ge3A : i32 to vector<896x896xi32>
    %ge3A_43 = arith.cmpi sge, %iota3A, %ge3A_42 : vector<896x896xi32>
    %jit3A = arith.constant -1.000000e+30 : f32
    %broadcast_in_dim3A = vector.broadcast %jit3A : f32 to vector<896x896xf32>
    %select_n3A = arith.select %ge3A_43, %broadcast_in_dim3A, %mul3A_41 : vector<896x896xi1>, vector<896x896xf32>
    %reduce_max3A = arith.constant dense<0xFF800000> : vector<896xf32>
    %reduce_max3A_44 = vector.multi_reduction <maximumf>, %select_n3A, %reduce_max3A [1] : vector<896x896xf32> to vector<896xf32>
    %broadcast_in_dim3A_45 = vector.shape_cast %reduce_max3A_44 : vector<896xf32> to vector<896x1xf32>
    %sub3A = vector.broadcast %broadcast_in_dim3A_45 : vector<896x1xf32> to vector<896x896xf32>
    %sub3A_46 = arith.subf %select_n3A, %sub3A : vector<896x896xf32>
    %exp3A = math.exp %sub3A_46 : vector<896x896xf32>
    %reduce_sum3A = arith.constant dense<0.000000e+00> : vector<896xf32>
    %reduce_sum3A_47 = vector.multi_reduction <add>, %exp3A, %reduce_sum3A [1] : vector<896x896xf32> to vector<896xf32>
    %broadcast_in_dim3A_48 = vector.shape_cast %reduce_sum3A_47 : vector<896xf32> to vector<896x1xf32>
    %div3A = vector.broadcast %broadcast_in_dim3A_48 : vector<896x1xf32> to vector<896x896xf32>
    %div3A_49 = arith.divf %exp3A, %div3A : vector<896x896xf32>
    %dot_general3A_50 = arith.constant dense<0.000000e+00> : vector<896x64xf32>
    %dot_general3A_51 = tpu.matmul %div3A_49, %add3A_37, %dot_general3A_50 {dimension_numbers = #tpu.dot_dimension_numbers<[1], [0], [0], [1], [0, 0, 1, 1], [], []>, transpose_lhs_hint = false} : vector<896x896xf32>, vector<896x64xf32>, vector<896x64xf32> -> vector<896x64xf32>
    %get3A_52 = arith.constant 0 : index
    %get3A_53 = arith.constant 0 : index
    %get3A_54 = arith.constant 0 : index
    %get3A_55 = vector.load %arg9[%get3A_52, %get3A_53, %get3A_54] : memref<1x64x768xf32, #tpu.memory_space<vmem>>, vector<1x64x768xf32>
    %get3A_56 = vector.shape_cast %get3A_55 : vector<1x64x768xf32> to vector<64x768xf32>
    %dot_general3A_57 = arith.constant dense<0.000000e+00> : vector<896x768xf32>
    %dot_general3A_58 = tpu.matmul %dot_general3A_51, %get3A_56, %dot_general3A_57 {dimension_numbers = #tpu.dot_dimension_numbers<[1], [0], [0], [1], [0, 0, 1, 1], [], []>, transpose_lhs_hint = false} : vector<896x64xf32>, vector<64x768xf32>, vector<896x768xf32> -> vector<896x768xf32>
    %eq3A = arith.constant 0 : i32
    %eq3A_59 = arith.cmpi eq, %arg1, %eq3A : i32
    %convert_element_type3A = arith.extui %eq3A_59 : i1 to i32
    %cond3A = arith.constant 0 : i32
    %cond3A_60 = arith.cmpi ne, %convert_element_type3A, %cond3A : i32
    scf.if %cond3A_60 {
      %get3A_65 = arith.constant 0 : index
      %get3A_66 = arith.constant 0 : index
      %get3A_67 = vector.load %arg10[%get3A_65, %get3A_66] : memref<1x768xf32, #tpu.memory_space<vmem>>, vector<1x768xf32>
      %add3A_68 = vector.broadcast %get3A_67 : vector<1x768xf32> to vector<896x768xf32>
      %add3A_69 = arith.addf %dot_general3A_58, %add3A_68 : vector<896x768xf32>
      %swap3A = arith.constant 0 : index
      %swap3A_70 = arith.constant 0 : index
      %swap3A_71 = arith.constant 0 : index
      %swap3A_72 = vector.load %arg11[%swap3A, %swap3A_70, %swap3A_71] : memref<1x896x768xf32, #tpu.memory_space<vmem>>, vector<1x896x768xf32>
      %swap3A_73 = vector.shape_cast %swap3A_72 : vector<1x896x768xf32> to vector<896x768xf32>
      %swap3A_74 = vector.shape_cast %add3A_69 : vector<896x768xf32> to vector<1x896x768xf32>
      tpu.vector_store %arg11[%swap3A, %swap3A_70, %swap3A_71], %swap3A_74 {strides = array<i32>} : memref<1x896x768xf32, #tpu.memory_space<vmem>>, vector<1x896x768xf32>,
    } else {
    }
    %ne3A = arith.constant 0 : i32
    %ne3A_61 = arith.cmpi ne, %arg1, %ne3A : i32
    %convert_element_type3A_62 = arith.extui %ne3A_61 : i1 to i32
    %cond3A_63 = arith.constant 0 : i32
    %cond3A_64 = arith.cmpi ne, %convert_element_type3A_62, %cond3A_63 : i32
    scf.if %cond3A_64 {
      %get3A_65 = arith.constant 0 : index
      %get3A_66 = arith.constant 0 : index
      %get3A_67 = arith.constant 0 : index
      %get3A_68 = vector.load %arg11[%get3A_65, %get3A_66, %get3A_67] : memref<1x896x768xf32, #tpu.memory_space<vmem>>, vector<1x896x768xf32>
      %get3A_69 = vector.shape_cast %get3A_68 : vector<1x896x768xf32> to vector<896x768xf32>
      %add3A_70 = arith.addf %get3A_69, %dot_general3A_58 : vector<896x768xf32>
      %swap3A = arith.constant 0 : index
      %swap3A_71 = arith.constant 0 : index
      %swap3A_72 = arith.constant 0 : index
      %swap3A_73 = vector.load %arg11[%swap3A, %swap3A_71, %swap3A_72] : memref<1x896x768xf32, #tpu.memory_space<vmem>>, vector<1x896x768xf32>
      %swap3A_74 = vector.shape_cast %swap3A_73 : vector<1x896x768xf32> to vector<896x768xf32>
      %swap3A_75 = vector.shape_cast %add3A_70 : vector<896x768xf32> to vector<1x896x768xf32>
      tpu.vector_store %arg11[%swap3A, %swap3A_71, %swap3A_72], %swap3A_75 {strides = array<i32>} : memref<1x896x768xf32, #tpu.memory_space<vmem>>, vector<1x896x768xf32>,
    } else {
    }
    return
  }
  func.func @transform_0(%arg0: i32, %arg1: i32) -> (i32, i32, i32) {
    %c0_i32 = arith.constant 0 : i32
    %c0_i32_0 = arith.constant 0 : i32
    %c0_i32_1 = arith.constant 0 : i32
    return %arg0, %c0_i32, %c0_i32_0 : i32, i32, i32
  }
  func.func @transform_1(%arg0: i32, %arg1: i32) -> (i32, i32) {
    %c0_i32 = arith.constant 0 : i32
    %c0_i32_0 = arith.constant 0 : i32
    return %arg1, %c0_i32 : i32, i32
  }
  func.func @transform_2(%arg0: i32, %arg1: i32) -> (i32, i32) {
    %add3A = arith.constant 12 : i32
    %add3A_0 = arith.addi %add3A, %arg1 : i32
    %c0_i32 = arith.constant 0 : i32
    %c0_i32_1 = arith.constant 0 : i32
    return %add3A_0, %c0_i32 : i32, i32
  }
  func.func @transform_3(%arg0: i32, %arg1: i32) -> (i32, i32) {
    %add3A = arith.constant 24 : i32
    %add3A_0 = arith.addi %add3A, %arg1 : i32
    %c0_i32 = arith.constant 0 : i32
    %c0_i32_1 = arith.constant 0 : i32
    return %add3A_0, %c0_i32 : i32, i32
  }
  func.func @transform_4(%arg0: i32, %arg1: i32) -> (i32, i32, i32) {
    %c0_i32 = arith.constant 0 : i32
    %c0_i32_0 = arith.constant 0 : i32
    %c0_i32_1 = arith.constant 0 : i32
    return %arg1, %c0_i32, %c0_i32_0 : i32, i32, i32
  }
  func.func @transform_5(%arg0: i32, %arg1: i32) -> (i32, i32, i32) {
    %add3A = arith.constant 12 : i32
    %add3A_0 = arith.addi %add3A, %arg1 : i32
    %c0_i32 = arith.constant 0 : i32
    %c0_i32_1 = arith.constant 0 : i32
    %c0_i32_2 = arith.constant 0 : i32
    return %add3A_0, %c0_i32, %c0_i32_1 : i32, i32, i32
  }
  func.func @transform_6(%arg0: i32, %arg1: i32) -> (i32, i32, i32) {
    %add3A = arith.constant 24 : i32
    %add3A_0 = arith.addi %add3A, %arg1 : i32
    %c0_i32 = arith.constant 0 : i32
    %c0_i32_1 = arith.constant 0 : i32
    %c0_i32_2 = arith.constant 0 : i32
    return %add3A_0, %c0_i32, %c0_i32_1 : i32, i32, i32
  }
  func.func @transform_7(%arg0: i32, %arg1: i32) -> (i32, i32, i32) {
    %c0_i32 = arith.constant 0 : i32
    %c0_i32_0 = arith.constant 0 : i32
    %c0_i32_1 = arith.constant 0 : i32
    return %arg1, %c0_i32, %c0_i32_0 : i32, i32, i32
  }
  func.func @transform_8(%arg0: i32, %arg1: i32) -> (i32, i32) {
    %c0_i32 = arith.constant 0 : i32
    %c0_i32_0 = arith.constant 0 : i32
    %c0_i32_1 = arith.constant 0 : i32
    return %c0_i32, %c0_i32_0 : i32, i32
  }
  func.func @transform_9(%arg0: i32, %arg1: i32) -> (i32, i32, i32) {
    %c0_i32 = arith.constant 0 : i32
    %c0_i32_0 = arith.constant 0 : i32
    %c0_i32_1 = arith.constant 0 : i32
    return %arg0, %c0_i32, %c0_i32_0 : i32, i32, i32
  }
}

</mosaic_0001>

<sc_bundles>
// kernel: gather_offload_async_start.1
scs
__scs_entry_jumppad:
0x0: {  	(pc) =	sbr.rel $0x88, $3  }
0x1: {  	(tag) =	ssettag $0x0;
	lr =	simm.s32 $0x1  }
0x2: {  	[smem:$0x3F8B] =	sst lr;
	_ =	strace $0xD0000000  }
0x3: {  	_ = 	snop  }
0x4: {  	_ = 	snop  }
0x5: {  	_ = 	snop  }
0x6: {  	_ = 	snop  }
0x7: {  	_ = 	snop  }
__scs_overlays_trampoline_lowered:
0x8: {  	[smem:$0x3F9A] =	sst s0  }
0x9: {  	[smem:$0x3F9B] =	sst s1  }
0xa: {  	[smem:$0x3F9C] =	sst s2  }
0xb: {  	[smem:$0x3F9D] =	sst s3  }
0xc: {  	[smem:$0x3F9E] =	sst s4  }
0xd: {  	[smem:$0x3F9F] =	sst s5  }
0xe: {  	[smem:$0x3FA0] =	sst s6  }
0xf: {  	[smem:$0x3FA1] =	sst s7  }
0x10: {  	[smem:$0x3FA2] =	sst s8  }
0x11: {  	[smem:$0x3FA3] =	sst s9;
	s0 =	simm.s32 @!p0 $0x0  }
0x12: {  	s1 =	sld [smem:$0x3F89];
	s0 =	simm.s32 @p0 $0x1  }
0x13: {  	[smem:$0x3FA4] =	sst s0;
	s0 =	simm.s32 @!p1 $0x0  }
0x14: {  	s2 =	sld [smem:$0x3F88];
	s0 =	simm.s32 @p1 $0x1  }
0x15: {  	[smem:$0x3FA5] =	sst s0;
	s0 =	simm.s32 @!p2 $0x0  }
0x16: {  	s3 =	sld [smem:$0x3FDB];
	s0 =	simm.s32 @p2 $0x1  }
0x17: {  	s4 =	simm.s32 $0x1BF5;
	[smem:$0x3FA7] =	sst s0  }
0x18: {  	s0 =	sld [smem:$0x3F8A];
	_ =	swait.ge [sflag:s4], $0x0  }
0x19: {  	s7 =	sld [smem:$0x3F8B]  }
0x1a: {  	s8 =	sadd.s32 $0xFFFFE003, lr  }
0x1b: {  	s9 =	sadd.s32 $0xFFFFFEF7, lr;
	s5 =	simm.s32 $0xFFFFFFFF;
	p2 =	slt.u32 s8, $0xFFFFF086  }
0x1c: {  	p1 =	slt.u32 s9, $0xF7A;
	s5 =	simm.s32 @!p2 $0x0  }
0x1d: {  	s5 =	simm.s32 @p1 $0x1;
	p0 =	seq.s32 s7, s2  }
0x1e: {  	s7 =	smul.u32 @!p0 $0xF7A, s2;
	p2 =	seq.s32 @!p0 s5, $0x0  }
0x1f: {  	s9 =	smul.u32 $0xF7A, s1;
	s8 =	simm.s32 @!p0 $0x1BF5;
	p2 =	por !p2, p0  }
0x20: {  	[sflag:s8] =	ssyncset.s32 @!p0 $0xFFFFF086;
	s6 =	sadd.s32 @!p0 s3, s7;
	s7 =	simm.s32 @!p0 $0x108  }
0x21: {  	s3 =	sadd.s32 s3, s9;
	s6 =	sadd.s32 @!p0 $0x88, s6;
	s7 =	simm.s32 @p2 $0x1082  }
0x22: {  	[simem:s7], [sflag:s8] =	dma.local @!p0 [hbm:s6], $0xF7A  }
0x23: {  	s9 =	sor.u32 $0xD0000000, s2;
	s6 =	simm.s32 $0x108;
	_ =	swait.ge @!p0 [sflag:s8], $0x0  }
0x24: {  	s3 =	sadd.s32 $0x88, s3;
	s6 =	simm.s32 @!p1 $0x1082;
	[sflag:s4] =	ssyncset.s32 $0xFFFFF086  }
0x25: {  	[simem:s6], [sflag:s4] =	dma.local [hbm:s3], $0xF7A  }
0x26: {  	[smem:$0x3F8B] =	sst s1;
	(tag) =	ssettag s2;
	_ =	strace s9  }
0x27: {  	s1 =	sld [smem:$0x3F9B]  }
0x28: {  	s2 =	sld [smem:$0x3F9C]  }
0x29: {  	s4 =	sld [smem:$0x3F9E]  }
0x2a: {  	p0 =	seq.s32 s5, $0x0;
	s5 =	sld [smem:$0x3F9F]  }
0x2b: {  	s6 =	sld [smem:$0x3FA0]  }
0x2c: {  	s7 =	sld [smem:$0x3FA1]  }
0x2d: {  	s3 =	simm.s32 $0x108;
	s8 =	sld [smem:$0x3FA2]  }
0x2e: {  	s3 =	simm.s32 @!p0 $0x1082;
	s9 =	sld [smem:$0x3FA3]  }
0x2f: {  	lr =	sadd.s32 s0, s3;
	s0 =	sld [smem:$0x3F9A]  }
0x30: {  	s3 =	sld [smem:$0x3F9D]  }
0x31: {  	[smem:$0x3FA6] =	sst s10  }
0x32: {  	s10 =	sld [smem:$0x3FA4];
	_ =	sdelay $0x3  }
0x33: {  	p0 =	seq.s32 s10, $0x1;
	s10 =	sld [smem:$0x3FA6];
	_ =	sdelay $0x3  }
0x34: {  	[smem:$0x3FA6] =	sst s10  }
0x35: {  	s10 =	sld [smem:$0x3FA5];
	_ =	sdelay $0x3  }
0x36: {  	p1 =	seq.s32 s10, $0x1;
	s10 =	sld [smem:$0x3FA6];
	_ =	sdelay $0x3  }
0x37: {  	[smem:$0x3FA6] =	sst s10  }
0x38: {  	s10 =	sld [smem:$0x3FA7]  }
0x39: {  	_ = 	snop;
	(pc) =	sbr.ind lr, $3  }
0x3a: {  	_ = 	snop  }
0x3b: {  	_ = 	snop  }
0x3c: {  	p2 =	seq.s32 s10, $0x1;
	s10 =	sld [smem:$0x3FA6]  }
0x3d: {  	_ =	shalt  }
0x3e: {  	_ =	shalt  }
0x3f: {  	_ =	shalt  }
0x40: {  	_ =	shalt  }
0x41: {  	_ =	shalt  }
0x42: {  	_ =	shalt  }
0x43: {  	_ =	shalt  }
0x44: {  	_ =	shalt  }
0x45: {  	_ =	shalt  }
0x46: {  	_ =	shalt  }
0x47: {  	_ =	shalt  }
0x48: {  	_ =	shalt  }
0x49: {  	_ =	shalt  }
0x4a: {  	_ =	shalt  }
0x4b: {  	_ =	shalt  }
0x4c: {  	_ =	shalt  }
0x4d: {  	_ =	shalt  }
0x4e: {  	_ =	shalt  }
0x4f: {  	_ =	shalt  }
0x50: {  	_ =	shalt  }
0x51: {  	_ =	shalt  }
0x52: {  	_ =	shalt  }
0x53: {  	_ =	shalt  }
0x54: {  	_ =	shalt  }
0x55: {  	_ =	shalt  }
0x56: {  	_ =	shalt  }
0x57: {  	_ =	shalt  }
0x58: {  	_ =	shalt  }
0x59: {  	_ =	shalt  }
0x5a: {  	_ =	shalt  }
0x5b: {  	_ =	shalt  }
0x5c: {  	_ =	shalt  }
0x5d: {  	_ =	shalt  }
0x5e: {  	_ =	shalt  }
0x5f: {  	_ =	shalt  }
0x60: {  	_ =	shalt  }
0x61: {  	_ =	shalt  }
0x62: {  	_ =	shalt  }
0x63: {  	_ =	shalt  }
0x64: {  	_ =	shalt  }
0x65: {  	_ =	shalt  }
0x66: {  	_ =	shalt  }
0x67: {  	_ =	shalt  }
0x68: {  	_ =	shalt  }
0x69: {  	_ =	shalt  }
0x6a: {  	_ =	shalt  }
0x6b: {  	_ =	shalt  }
0x6c: {  	_ =	shalt  }
0x6d: {  	_ =	shalt  }
0x6e: {  	_ =	shalt  }
0x6f: {  	_ =	shalt  }
0x70: {  	_ =	shalt  }
0x71: {  	_ =	shalt  }
0x72: {  	_ =	shalt  }
0x73: {  	_ =	shalt  }
0x74: {  	_ =	shalt  }
0x75: {  	_ =	shalt  }
0x76: {  	_ =	shalt  }
0x77: {  	_ =	shalt  }
0x78: {  	_ =	shalt  }
0x79: {  	_ =	shalt  }
0x7a: {  	_ =	shalt  }
0x7b: {  	_ =	shalt  }
0x7c: {  	_ =	shalt  }
0x7d: {  	_ =	shalt  }
0x7e: {  	_ =	shalt  }
0x7f: {  	_ =	shalt  }
0x80: {  	_ =	shalt  }
0x81: {  	_ =	shalt  }
0x82: {  	_ =	shalt  }
0x83: {  	_ =	shalt  }
0x84: {  	_ =	shalt  }
0x85: {  	_ =	shalt  }
0x86: {  	_ =	shalt  }
0x87: {  	_ =	shalt  }
.Lfunc_end0:
.L_simem_size_0:
called_computation.1_lowered:
.L_overlay_start_0:
0x88: {  	s2 =	sld [smem:$0x3FD9]  }
0x89: {  	s3 =	sld [smem:$0x3FFE];
	_ =	sdelay $0x1  }
0x8a: {  	s1 =	srdreg.scid  }
0x8b: {  	s0 =	sand.u32 $0x1, s1  }
0x8c: {  	s17 =	sshll.u32 s0, $0xA;
	s2 =	sadd.s32 s3, s2  }
0x8d: {  	s2 =	sadd.s32 s2, s17  }
0x8e: {  	[smem:$0x3FB2] =	sst s2  }
0x8f: {  	_ = 	snop  }
0x90: {  	s2 =	sld [smem:$0x3FD0];
	(tm) =	ssettm $0x1  }
0x91: {  	s18 =	sld [smem:$0x3FFB];
	_ =	sdelay $0x3  }
0x92: {  	_ =	strace s18  }
0x93: {  	s3 =	sld [smem:$0x3FFC];
	_ =	sdelay $0x3  }
0x94: {  	_ =	strace s3  }
0x95: {  	s3 =	sld [smem:$0x3FFD];
	_ =	sdelay $0x3  }
0x96: {  	_ =	strace s3  }
0x97: {  	_ =	strace $0x8FFFFFFF  }
0x98: {  	s19 =	sld [smem:$0x3FDB];
	_ =	sdelay $0x1  }
0x99: {  	s4 =	simm.s32 $_scs_section_size  }
0x9a: {  	s5 =	simm.s32 $_size__tile_overlayer_lowered;
	s6 =	simm.s32 $_tile_overlayer_lowered  }
0x9b: {  	s22 =	simm.s32 $0x1BFF;
	s21 =	sshll.u32 s6, $0x1;
	s3 =	sadd.s32 s4, s19  }
0x9c: {  	s7 =	simm.s32 $0x0;
	s20 =	sshll.u32 s5, $0x1;
	s5 =	sadd.s32 s21, s3  }
0x9d: {  	[timem:s7], [sflag:s22] =	dma.local [hbm:s5], s20  }
0x9e: {  	_ =	swait.ge [sflag:s22], s20  }
0x9f: {  	s4 =	ssub.s32 $0x0, s20;
	[sflag:s22] =	ssyncset.done $0x0  }
0xa0: {  	[sflag:s22] =	ssyncadd.s32 s4;
	_ =	sdelay $0x1  }
0xa1: {  	s23 =	simm.s32 $0x1B8B  }
0xa2: {  	_ =	swait.ge [sflag:s23], $0x1  }
0xa3: {  	[sflag:s23] =	ssyncset.done $0x0  }
0xa4: {  	s25 =	simm.s32 $0x1B8E;
	s24 =	sld [smem:$0x3FFE];
	[sflag:s23] =	ssyncadd.s32 $0xFFFFFFFF  }
0xa5: {  	s26 =	simm.s32 $execute0_lowered;
	[smem:$0x3FD2] =	sst s25  }
0xa6: {  	s5 =	sshll.u32 s26, $0x1;
	_ =	strace $0x80000049;
	[dreg:$0x1] =	wrdreg $0xFFFFFFFF  }
0xa7: {  	s28 =	simm.s32 $_size_execute0_lowered;
	s3 =	sadd.s32 s3, s5;
	[dreg:$0x0] =	wrdreg $0x0  }
0xa8: {  	s5 =	sshll.u32 s28, $0x1;
	[dreg:$0x2] =	wrdreg s3  }
0xa9: {  	[dreg:$0x3] =	wrdreg s5  }
0xaa: {  	[dreg:$0x4] =	wrdreg $0xC0  }
0xab: {  	_ =	task [dreg:s7], $0x5FFFF  }
0xac: {  	[dreg:$0x1] =	wrdreg $0xFFFFFFFF  }
0xad: {  	[dreg:$0x0] =	wrdreg $0x60  }
0xae: {  	[dreg:$0x2] =	wrdreg s2  }
0xaf: {  	[dreg:$0x3] =	wrdreg s24  }
0xb0: {  	[dreg:$0x4] =	wrdreg $0x9  }
0xb1: {  	_ =	task.clear_ibuf [dreg:s7], $0x5FFFF;
	_ =	strace $0x90000049  }
0xb2: {  	s29 =	simm.s32 $0x9;
	_ =	strace $0x8000004B  }
0xb3: {  	_ =	swait.ge [sflag:s29], $0x1  }
0xb4: {  	[sflag:s29] =	ssyncadd.s32 $0xFFFFFFFF  }
0xb5: {  	_ =	strace $0x9000004B  }
0xb6: {  	_ =	sfence  }
0xb7: {  	s30 =	sld [smem:$0x0];
	_ =	sdelay $0x2  }
0xb8: {  	s31 =	sshll.u32 s1, $0xD;
	s1 =	sshrl.u32 s1, $0x2  }
0xb9: {  	s3 =	sand.u32 $0x4000, s31;
	s1 =	sadd.s32 s1, s30  }
0xba: {  	s0 =	sor.u32 s3, s0;
	s1 =	sshll.u32 s1, $0x11  }
0xbb: {  	s0 =	sor.u32 s1, s0  }
0xbc: {  	s0 =	sadd.s32 $0x8F2B, s0  }
0xbd: {  	[sflag:s0] =	ssyncadd.remote.s32 $0x1  }
0xbe: {  	_ =	sfence.sel $0xFFFF  }
0xbf: {  	[dreg:$0x0] =	wrdreg $0xFFFFFFFF;
	(pc) =	sbr.abs _section_cstart, $3  }
0xc0: {  	[dreg:$0x1] =	wrdreg $0xFFFFFFFF  }
0xc1: {  	_ =	task.clear_ibuf [dreg:s7], $0x2FFFF;
	_ =	strace $0x9FFFFFFF  }
0xc2: {  	(tm) =	ssettm $0x7FFFFFFF  }
0xc3: {  	_ =	shalt  }
tec
execute0_lowered:
.L_overlay_start_1:
0x0: {  	(tag) =	ssettag $0x1  }
0x1: {  	s1 =	srdreg.scid;
	s2 =	rddreg [dreg:$0x0]  }
0x2: {  	s0 =	stileid.u32;
	s5 =	rddreg [dreg:$0x1];
	s6 =	simm.s32 $0x1  }
0x3: {  	s9 =	simm.s32 $0x1;
	s10 =	simm.s32 $0x3;
	s1 =	sshll.u32 s1, $0xF  }
0x4: {  	s13 =	simm.s32 $0x0;
	s3 =	sshll.u32 s0, $0x10;
	s4 =	sand.u32 $0x8000, s1  }
0x5: {  	s12 =	simm.s32 $0x0;
	s1 =	rddreg [dreg:$0x2];
	s3 =	sor.u32 s3, s4  }
0x6: {  	_ =	strace $0x8000004A;
	s4 =	sadd.s32 $0xAAC00, s5;
	s8 =	ssub.s32 $0x150000, s3  }
.Ltmp0:
0x7: {  	s5 =	sadd.s32 $0x7400, s5;
	s7 =	sand.u32 $0xF8000, s8;
	(pc) =	sbr.rel .LBB2_1-.Ltmp0, $4  }
0x8: {  	[sflag:s6] =	ssyncpa.u1 $0x0;
	s11 =	smov.u32 s3;
	p0 =	sne.s32 s7, $0x0  }
0x9: {  	s8 =	sshrl.u32 s8, $0x14;
	s7 =	simm.s32 $0x2;
	s9 =	simm.s32 @!p0 $0x0  }
0xa: {  	[sflag:s7] =	ssyncpa.u1 $0x0;
	p0 =	por $0x0, $0x0;
	s8 =	sadd.s32 s9, s8  }
0xb: {  	vm0 =	vmmov $0xffff;
	v0 =	vimm.s32 $0x0;
	[sflag:s10] =	ssyncpa.u1 $0x0;
	s10 =	simm.s32 $0x0;
	s9 =	sadd.s32 $0x1, s8  }
.LBB2_4:
0xc: {  	v2 =	vand.u32 $0x3FF, v2;
	v3 =	vsel vm1, $0xFFFFFFFF, v3;
	vm2 =	veq.s32 v4, $0x1  }
0xd: {  	v2 =	vsel vm1, $0xFFFFFFFF, v2;
	v62 =	vshrl.u32 v3, $0x3;
	v5 =	vsel vm2, $0x300000, v0  }
0xe: {  	v6 =	vand.u32 $0x7F, v2;
	v5 =	vsel vm1, $0xFFD00000, v5;
	v4 =	vmul.u32 $0x1800, v62  }
0xf: {  	v2 =	vshll.u32 v2, $0x3;
	v5 =	vor.u32 v5, v6  }
0x10: {  	v3 =	vshll.u32 v3, $0x7;
	v2 =	vand.u32 $0xFFFFFC00, v2;
	v4 =	vadd.s32 v4, v5  }
0x11: {  	v3 =	vand.u32 $0x380, v3;
	v2 =	vadd.s32 v2, v4  }
0x12: {  	v2 =	vor.u32 v3, v2;
	_ =	sdelay $0x1  }
0x13: {  	(ifvalue) =	ssetifvalue $0x7FFFFFFF;
	s14 =	sadd.s32 $0x10, s14  }
0x14: {  	[tilespmem:s14], [sflag:$0x1] =	stream.indirect_vreg.gather [hbm4b:s2+s10], $0x1, v1, vm0, $0x4038;
	v63 =	vld [tilespmem:$0x0]  }
0x15: {  	(ifvalue) =	ssetifvalue $0x7FFFFFFF;
	s14 =	sadd.s32 $0x10, s14  }
0x16: {  	[tilespmem:s14], [sflag:$0x1] =	stream.indirect_vreg.gather [hbm4b:s2+s10], $0x1, v2, vm0, $0x4038;
	v63 =	vld [tilespmem:$0x0]  }
0x17: {  	_ =	swait.ge [sflag:s6], $0x8000  }
0x18: {  	s30 =	sshrl.u32 s13, $0x3;
	[sflag:s6] =	ssyncset.done $0x0  }
0x19: {  	s31 =	sand.u32 $0x7, s13;
	s14 =	sadd.s32 s5, s30;
	[sflag:s6] =	ssyncadd.s32 $0xFFFF8000  }
0x1a: {  	[hbm4b:s14+s31] =	stream.linear.scatter [tilespmem:s15], [sflag:$0x3], $0x8000, $0x38;
	v63 =	vld [tilespmem:$0x0]  }
.LBB2_5:
0x1b: {  	s15 =	sadd.s32 $0x100000, s11  }
0x1c: {  	p2 =	sgt.s32 s15, $0x14FFFF  }
0x1d: {  	s15 =	smov.u32 @p2 s3;
	p2 =	sne.s32 s12, s9  }
.Ltmp1:
0x1e: {  	p1 =	slt.u32 s12, $0x2;
	(pc) =	sbr.rel @!p2 .LBB2_6-.Ltmp1, $4  }
0x1f: {  	s14 =	simm.s32 @!p1 $0x3  }
0x20: {  	s16 =	sadd.s32 $0x1, s12;
	_ =	swait.ge @!p1 [sflag:s14], $0x8000  }
0x21: {  	s13 =	smov.u32 s11;
	p0 =	por !p0, !p0;
	[sflag:s14] =	ssyncset.done @!p1 $0x0  }
0x22: {  	s12 =	smov.u32 s16;
	s11 =	smov.u32 s15;
	[sflag:s14] =	ssyncadd.s32 @!p1 $0xFFFF8000  }
.LBB2_1:
0x23: {  	p1 =	sge.u32 s12, s8  }
0x24: {  	s14 =	sxor.u32 @!p1 $0xFFFFFFFF, s12  }
0x25: {  	s31 =	sadd.s32 $0xFFFFFFFF, s12;
	s15 =	sshrl.u32 @!p1 s11, $0x3;
	s14 =	sshll.u32 @!p1 s14, $0xF  }
0x26: {  	s16 =	sand.u32 @!p1 $0x7, s11;
	s15 =	sadd.s32 @!p1 s4, s15;
	s14 =	sand.u32 @!p1 $0x8000, s14  }
0x27: {  	[tilespmem:s14], [sflag:$0x2] =	stream.linear.gather @!p1 [hbm4b:s15+s16], $0x8000, $0x38;
	v63 =	vld [tilespmem:$0x0]  }
0x28: {  	p1 =	sge.u32 s31, s8  }
.Ltmp2:
0x29: {  	_ = 	snop;
	(pc) =	sbr.rel @p1 .LBB2_5-.Ltmp2, $1  }
0x2a: {  	_ =	sdelay $0x3  }
0x2b: {  	s14 =	simm.s32 $0x1  }
0x2c: {  	_ =	swait.ge [sflag:s7], $0x8000;
	s14 =	simm.s32 @!p0 $0x0  }
0x2d: {  	[sflag:s7] =	ssyncset.done $0x0;
	s14 =	sshll.u32 s14, $0xF  }
0x2e: {  	[sflag:s7] =	ssyncadd.s32 $0xFFFF8000;
	(ifvalue) =	ssetifvalue $0x7FFFFFFF;
	v1 =	vld.msk [tilespmem:s14+$0x0 ss:$0x1], $0xffff;
	_ =	sdelay $0x4  }
0x2f: {  	vm1 =	veq.s32 v1, $0x80000000;
	v2 =	vshrl.u32 v1, $0xB  }
0x30: {  	v3 =	vshrl.u32 v1, $0x1;
	v1 =	vand.u32 $0x1, v1;
	v2 =	vand.u32 $0xFFF, v2  }
0x31: {  	s15 =	sadd.s32 $0x10, s14;
	v3 =	vand.u32 $0x3FF, v3;
	vm2 =	veq.s32 v1, $0x1;
	v2 =	vsel vm1, $0xFFFFFFFF, v2  }
0x32: {  	v1 =	vld.msk [tilespmem:s15+$0x0 ss:$0x1], $0xffff;
	v3 =	vsel vm1, $0xFFFFFFFF, v3;
	v5 =	vsel vm2, $0x300000, v0;
	v4 =	vshrl.u32 v2, $0x3  }
0x33: {  	v6 =	vand.u32 $0x7F, v3;
	v5 =	vsel vm1, $0xFFD00000, v5;
	v4 =	vmul.u32 $0x1800, v4  }
0x34: {  	v3 =	vshll.u32 v3, $0x3;
	v5 =	vor.u32 v5, v6  }
0x35: {  	v2 =	vshll.u32 v2, $0x7;
	v3 =	vand.u32 $0xFFFFFC00, v3;
	v4 =	vadd.s32 v4, v5  }
0x36: {  	v2 =	vand.u32 $0x380, v2;
	v3 =	vadd.s32 v3, v4  }
0x37: {  	vm1 =	veq.s32 v1, $0x80000000;
	v4 =	vshrl.u32 v1, $0xB;
	v2 =	vor.u32 v2, v3  }
0x38: {  	v3 =	vshrl.u32 v1, $0x1;
	v4 =	vand.u32 $0xFFF, v4;
	v1 =	vand.u32 $0x1, v1  }
0x39: {  	s17 =	sadd.s32 $0x10, s15;
	v3 =	vand.u32 $0x3FF, v3;
	v4 =	vsel vm1, $0xFFFFFFFF, v4;
	vm2 =	veq.s32 v1, $0x1  }
0x3a: {  	v5 =	vld.msk [tilespmem:s17+$0x0 ss:$0x1], $0xffff;
	v1 =	vsel vm1, $0xFFFFFFFF, v3;
	v3 =	vshrl.u32 v4, $0x3;
	v6 =	vsel vm2, $0x300000, v0  }
0x3b: {  	v7 =	vand.u32 $0x7F, v1;
	v6 =	vsel vm1, $0xFFD00000, v6;
	v3 =	vmul.u32 $0x1800, v3  }
0x3c: {  	v1 =	vshll.u32 v1, $0x3;
	v6 =	vor.u32 v6, v7  }
0x3d: {  	s31 =	sshll.u32 s12, $0xF;
	s14 =	sor.u32 $0x10000, s14;
	(ifvalue) =	ssetifvalue $0x7FFFFFFF;
	v4 =	vshll.u32 v4, $0x7;
	v1 =	vand.u32 $0xFFFFFC00, v1;
	v3 =	vadd.s32 v3, v6  }
0x3e: {  	[tilespmem:s14], [sflag:$0x1] =	stream.indirect_vreg.gather [hbm4b:s2+s10], $0x1, v2, vm0, $0x4038;
	v2 =	vand.u32 $0x380, v4;
	v1 =	vadd.s32 v1, v3;
	v63 =	vld [tilespmem:$0x0]  }
0x3f: {  	s15 =	sand.u32 $0x8000, s31;
	vm1 =	veq.s32 v5, $0x80000000;
	v3 =	vshrl.u32 v5, $0xB;
	v1 =	vor.u32 v2, v1  }
0x40: {  	s16 =	simm.s32 $0x20;
	s15 =	sor.u32 $0x10000, s15;
	s17 =	sadd.s32 $0x10, s17;
	v4 =	vand.u32 $0x1, v5;
	v2 =	vshrl.u32 v5, $0x1;
	v3 =	vand.u32 $0xFFF, v3  }
.LBB2_3:
0x41: {  	v5 =	vld.msk [tilespmem:s17+$0x0 ss:$0x1], $0xffff;
	s16 =	sadd.s32 $0x10, s16;
	v2 =	vand.u32 $0x3FF, v2;
	v3 =	vsel vm1, $0xFFFFFFFF, v3;
	vm2 =	veq.s32 v4, $0x1  }
0x42: {  	p1 =	slt.u32 s16, $0x7FF0;
	v2 =	vsel vm1, $0xFFFFFFFF, v2;
	v4 =	vshrl.u32 v3, $0x3;
	v6 =	vsel vm2, $0x300000, v0  }
0x43: {  	s14 =	sadd.s32 $0x10, s14;
	v7 =	vand.u32 $0x7F, v2;
	v6 =	vsel vm1, $0xFFD00000, v6;
	v4 =	vmul.u32 $0x1800, v4;
	(ifvalue) =	ssetifvalue $0x7FFFFFFF  }
0x44: {  	[tilespmem:s14], [sflag:$0x1] =	stream.indirect_vreg.gather [hbm4b:s2+s10], $0x1, v1, vm0, $0x4038;
	v63 =	vld [tilespmem:$0x0]  }
.Ltmp3:
0x45: {  	v2 =	vshll.u32 v2, $0x3;
	v6 =	vor.u32 v6, v7;
	(pc) =	sbr.rel @p1 .LBB2_3-.Ltmp3, $4  }
0x46: {  	v1 =	vand.u32 $0xFFFFFC00, v2;
	v2 =	vshll.u32 v3, $0x7;
	v3 =	vadd.s32 v4, v6  }
0x47: {  	v2 =	vand.u32 $0x380, v2;
	v1 =	vadd.s32 v1, v3  }
0x48: {  	vm1 =	veq.s32 v5, $0x80000000;
	v3 =	vshrl.u32 v5, $0xB;
	v1 =	vor.u32 v2, v1  }
0x49: {  	s17 =	sadd.s32 $0x10, s17;
	v4 =	vand.u32 $0x1, v5;
	v2 =	vshrl.u32 v5, $0x1;
	v3 =	vand.u32 $0xFFF, v3  }
.Ltmp4:
0x4a: {  	_ = 	snop;
	(pc) =	sbr.rel .LBB2_4-.Ltmp4, $1  }
0x4b: {  	_ =	sdelay $0x3  }
.LBB2_6:
0x4c: {  	_ =	sfence.sel $0x180000  }
0x4d: {  	s2 =	simm.s32 $0x2;
	[bflag:$0x0] =	sbarrier.arrive $0xFFFF  }
0x4e: {  	s30 =	simm.s32 $0x3;
	[sflag:s2] =	ssyncpa.u1 $0x1  }
0x4f: {  	s31 =	simm.s32 $0x1;
	[sflag:s30] =	ssyncpa.u1 $0x1  }
0x50: {  	[sflag:s31] =	ssyncpa.u1 $0x1  }
0x51: {  	p0 =	sne.s32 s0, $0x0;
	_ =	strace $0x9000004A  }
0x52: {  	s0 =	sadd.s32 @!p0 $0x100000, s1;
	[bflag:$0x2] =	sbarrier.arrive $0xFFFF  }
0x53: {  	[sflag:s0] =	ssyncadd.tile.s32 @!p0 $0x1;
	_ =	shalt  }
.Lfunc_end2:
_tile_overlayer_lowered:
.L_overlay_start_2:
0x54: {  	(tag) =	ssettag $0x2  }
0x55: {  	s0 =	rddreg [dreg:$0x0];
	s2 =	stileid.u32  }
0x56: {  	s1 =	rddreg [dreg:$0x1];
	p0 =	sne.s32 s2, $0x0  }
0x57: {  	s3 =	rddreg [dreg:$0x2];
	[bflag:$0x3] =	sbarrier.arrive $0xFFFF;
	s2 =	simm.s32 @!p0 $0x1C01  }
0x58: {  	[timem:s3], [sflag:s2] =	dma.local @!p0 [hbm:s0], s1  }
0x59: {  	s0 =	simm.s32 @!p0 $0x1  }
0x5a: {  	_ =	swait.ge @!p0 [sflag:s0], s1  }
0x5b: {  	s1 =	ssub.s32 @!p0 $0x0, s1;
	[sflag:s0] =	ssyncset.done @!p0 $0x0  }
0x5c: {  	[sflag:s0] =	ssyncadd.s32 @!p0 s1  }
0x5d: {  	[bflag:$0x3] =	sbarrier.arrive $0xFFFF  }
0x5e: {  	_ =	shalt  }

// kernel: gather_offload_async_start
scs
__scs_entry_jumppad:
0x0: {  	(pc) =	sbr.rel $0x88, $3  }
0x1: {  	(tag) =	ssettag $0x0;
	lr =	simm.s32 $0x1  }
0x2: {  	[smem:$0x3F8B] =	sst lr;
	_ =	strace $0xD0000000  }
0x3: {  	_ = 	snop  }
0x4: {  	_ = 	snop  }
0x5: {  	_ = 	snop  }
0x6: {  	_ = 	snop  }
0x7: {  	_ = 	snop  }
__scs_overlays_trampoline_lowered:
0x8: {  	[smem:$0x3F9A] =	sst s0  }
0x9: {  	[smem:$0x3F9B] =	sst s1  }
0xa: {  	[smem:$0x3F9C] =	sst s2  }
0xb: {  	[smem:$0x3F9D] =	sst s3  }
0xc: {  	[smem:$0x3F9E] =	sst s4  }
0xd: {  	[smem:$0x3F9F] =	sst s5  }
0xe: {  	[smem:$0x3FA0] =	sst s6  }
0xf: {  	[smem:$0x3FA1] =	sst s7  }
0x10: {  	[smem:$0x3FA2] =	sst s8  }
0x11: {  	[smem:$0x3FA3] =	sst s9;
	s0 =	simm.s32 @!p0 $0x0  }
0x12: {  	s1 =	sld [smem:$0x3F89];
	s0 =	simm.s32 @p0 $0x1  }
0x13: {  	[smem:$0x3FA4] =	sst s0;
	s0 =	simm.s32 @!p1 $0x0  }
0x14: {  	s2 =	sld [smem:$0x3F88];
	s0 =	simm.s32 @p1 $0x1  }
0x15: {  	[smem:$0x3FA5] =	sst s0;
	s0 =	simm.s32 @!p2 $0x0  }
0x16: {  	s3 =	sld [smem:$0x3FDB];
	s0 =	simm.s32 @p2 $0x1  }
0x17: {  	s4 =	simm.s32 $0x1BF5;
	[smem:$0x3FA7] =	sst s0  }
0x18: {  	s0 =	sld [smem:$0x3F8A];
	_ =	swait.ge [sflag:s4], $0x0  }
0x19: {  	s7 =	sld [smem:$0x3F8B]  }
0x1a: {  	s8 =	sadd.s32 $0xFFFFE003, lr  }
0x1b: {  	s9 =	sadd.s32 $0xFFFFFEF7, lr;
	s5 =	simm.s32 $0xFFFFFFFF;
	p2 =	slt.u32 s8, $0xFFFFF086  }
0x1c: {  	p1 =	slt.u32 s9, $0xF7A;
	s5 =	simm.s32 @!p2 $0x0  }
0x1d: {  	s5 =	simm.s32 @p1 $0x1;
	p0 =	seq.s32 s7, s2  }
0x1e: {  	s7 =	smul.u32 @!p0 $0xF7A, s2;
	p2 =	seq.s32 @!p0 s5, $0x0  }
0x1f: {  	s9 =	smul.u32 $0xF7A, s1;
	s8 =	simm.s32 @!p0 $0x1BF5;
	p2 =	por !p2, p0  }
0x20: {  	[sflag:s8] =	ssyncset.s32 @!p0 $0xFFFFF086;
	s6 =	sadd.s32 @!p0 s3, s7;
	s7 =	simm.s32 @!p0 $0x108  }
0x21: {  	s3 =	sadd.s32 s3, s9;
	s6 =	sadd.s32 @!p0 $0x88, s6;
	s7 =	simm.s32 @p2 $0x1082  }
0x22: {  	[simem:s7], [sflag:s8] =	dma.local @!p0 [hbm:s6], $0xF7A  }
0x23: {  	s9 =	sor.u32 $0xD0000000, s2;
	s6 =	simm.s32 $0x108;
	_ =	swait.ge @!p0 [sflag:s8], $0x0  }
0x24: {  	s3 =	sadd.s32 $0x88, s3;
	s6 =	simm.s32 @!p1 $0x1082;
	[sflag:s4] =	ssyncset.s32 $0xFFFFF086  }
0x25: {  	[simem:s6], [sflag:s4] =	dma.local [hbm:s3], $0xF7A  }
0x26: {  	[smem:$0x3F8B] =	sst s1;
	(tag) =	ssettag s2;
	_ =	strace s9  }
0x27: {  	s1 =	sld [smem:$0x3F9B]  }
0x28: {  	s2 =	sld [smem:$0x3F9C]  }
0x29: {  	s4 =	sld [smem:$0x3F9E]  }
0x2a: {  	p0 =	seq.s32 s5, $0x0;
	s5 =	sld [smem:$0x3F9F]  }
0x2b: {  	s6 =	sld [smem:$0x3FA0]  }
0x2c: {  	s7 =	sld [smem:$0x3FA1]  }
0x2d: {  	s3 =	simm.s32 $0x108;
	s8 =	sld [smem:$0x3FA2]  }
0x2e: {  	s3 =	simm.s32 @!p0 $0x1082;
	s9 =	sld [smem:$0x3FA3]  }
0x2f: {  	lr =	sadd.s32 s0, s3;
	s0 =	sld [smem:$0x3F9A]  }
0x30: {  	s3 =	sld [smem:$0x3F9D]  }
0x31: {  	[smem:$0x3FA6] =	sst s10  }
0x32: {  	s10 =	sld [smem:$0x3FA4];
	_ =	sdelay $0x3  }
0x33: {  	p0 =	seq.s32 s10, $0x1;
	s10 =	sld [smem:$0x3FA6];
	_ =	sdelay $0x3  }
0x34: {  	[smem:$0x3FA6] =	sst s10  }
0x35: {  	s10 =	sld [smem:$0x3FA5];
	_ =	sdelay $0x3  }
0x36: {  	p1 =	seq.s32 s10, $0x1;
	s10 =	sld [smem:$0x3FA6];
	_ =	sdelay $0x3  }
0x37: {  	[smem:$0x3FA6] =	sst s10  }
0x38: {  	s10 =	sld [smem:$0x3FA7]  }
0x39: {  	_ = 	snop;
	(pc) =	sbr.ind lr, $3  }
0x3a: {  	_ = 	snop  }
0x3b: {  	_ = 	snop  }
0x3c: {  	p2 =	seq.s32 s10, $0x1;
	s10 =	sld [smem:$0x3FA6]  }
0x3d: {  	_ =	shalt  }
0x3e: {  	_ =	shalt  }
0x3f: {  	_ =	shalt  }
0x40: {  	_ =	shalt  }
0x41: {  	_ =	shalt  }
0x42: {  	_ =	shalt  }
0x43: {  	_ =	shalt  }
0x44: {  	_ =	shalt  }
0x45: {  	_ =	shalt  }
0x46: {  	_ =	shalt  }
0x47: {  	_ =	shalt  }
0x48: {  	_ =	shalt  }
0x49: {  	_ =	shalt  }
0x4a: {  	_ =	shalt  }
0x4b: {  	_ =	shalt  }
0x4c: {  	_ =	shalt  }
0x4d: {  	_ =	shalt  }
0x4e: {  	_ =	shalt  }
0x4f: {  	_ =	shalt  }
0x50: {  	_ =	shalt  }
0x51: {  	_ =	shalt  }
0x52: {  	_ =	shalt  }
0x53: {  	_ =	shalt  }
0x54: {  	_ =	shalt  }
0x55: {  	_ =	shalt  }
0x56: {  	_ =	shalt  }
0x57: {  	_ =	shalt  }
0x58: {  	_ =	shalt  }
0x59: {  	_ =	shalt  }
0x5a: {  	_ =	shalt  }
0x5b: {  	_ =	shalt  }
0x5c: {  	_ =	shalt  }
0x5d: {  	_ =	shalt  }
0x5e: {  	_ =	shalt  }
0x5f: {  	_ =	shalt  }
0x60: {  	_ =	shalt  }
0x61: {  	_ =	shalt  }
0x62: {  	_ =	shalt  }
0x63: {  	_ =	shalt  }
0x64: {  	_ =	shalt  }
0x65: {  	_ =	shalt  }
0x66: {  	_ =	shalt  }
0x67: {  	_ =	shalt  }
0x68: {  	_ =	shalt  }
0x69: {  	_ =	shalt  }
0x6a: {  	_ =	shalt  }
0x6b: {  	_ =	shalt  }
0x6c: {  	_ =	shalt  }
0x6d: {  	_ =	shalt  }
0x6e: {  	_ =	shalt  }
0x6f: {  	_ =	shalt  }
0x70: {  	_ =	shalt  }
0x71: {  	_ =	shalt  }
0x72: {  	_ =	shalt  }
0x73: {  	_ =	shalt  }
0x74: {  	_ =	shalt  }
0x75: {  	_ =	shalt  }
0x76: {  	_ =	shalt  }
0x77: {  	_ =	shalt  }
0x78: {  	_ =	shalt  }
0x79: {  	_ =	shalt  }
0x7a: {  	_ =	shalt  }
0x7b: {  	_ =	shalt  }
0x7c: {  	_ =	shalt  }
0x7d: {  	_ =	shalt  }
0x7e: {  	_ =	shalt  }
0x7f: {  	_ =	shalt  }
0x80: {  	_ =	shalt  }
0x81: {  	_ =	shalt  }
0x82: {  	_ =	shalt  }
0x83: {  	_ =	shalt  }
0x84: {  	_ =	shalt  }
0x85: {  	_ =	shalt  }
0x86: {  	_ =	shalt  }
0x87: {  	_ =	shalt  }
.Lfunc_end0:
.L_simem_size_0:
called_computation_lowered:
.L_overlay_start_0:
0x88: {  	s2 =	sld [smem:$0x3FD9]  }
0x89: {  	s3 =	sld [smem:$0x3FFE];
	_ =	sdelay $0x1  }
0x8a: {  	s1 =	srdreg.scid  }
0x8b: {  	s0 =	sand.u32 $0x1, s1  }
0x8c: {  	s17 =	sshll.u32 s0, $0xA;
	s2 =	sadd.s32 s3, s2  }
0x8d: {  	s2 =	sadd.s32 s2, s17  }
0x8e: {  	[smem:$0x3FB2] =	sst s2  }
0x8f: {  	_ = 	snop  }
0x90: {  	s2 =	sld [smem:$0x3FD0];
	(tm) =	ssettm $0x1  }
0x91: {  	s18 =	sld [smem:$0x3FFB];
	_ =	sdelay $0x3  }
0x92: {  	_ =	strace s18  }
0x93: {  	s3 =	sld [smem:$0x3FFC];
	_ =	sdelay $0x3  }
0x94: {  	_ =	strace s3  }
0x95: {  	s3 =	sld [smem:$0x3FFD];
	_ =	sdelay $0x3  }
0x96: {  	_ =	strace s3  }
0x97: {  	_ =	strace $0x8FFFFFFF  }
0x98: {  	s19 =	sld [smem:$0x3FDB];
	_ =	sdelay $0x1  }
0x99: {  	s4 =	simm.s32 $_scs_section_size  }
0x9a: {  	s5 =	simm.s32 $_size__tile_overlayer_lowered;
	s6 =	simm.s32 $_tile_overlayer_lowered  }
0x9b: {  	s22 =	simm.s32 $0x1BFF;
	s21 =	sshll.u32 s6, $0x1;
	s3 =	sadd.s32 s4, s19  }
0x9c: {  	s7 =	simm.s32 $0x0;
	s20 =	sshll.u32 s5, $0x1;
	s5 =	sadd.s32 s21, s3  }
0x9d: {  	[timem:s7], [sflag:s22] =	dma.local [hbm:s5], s20  }
0x9e: {  	_ =	swait.ge [sflag:s22], s20  }
0x9f: {  	s4 =	ssub.s32 $0x0, s20;
	[sflag:s22] =	ssyncset.done $0x0  }
0xa0: {  	[sflag:s22] =	ssyncadd.s32 s4;
	_ =	sdelay $0x1  }
0xa1: {  	s23 =	simm.s32 $0x1B8B  }
0xa2: {  	_ =	swait.ge [sflag:s23], $0x1  }
0xa3: {  	[sflag:s23] =	ssyncset.done $0x0  }
0xa4: {  	s25 =	simm.s32 $0x1B8E;
	s24 =	sld [smem:$0x3FFE];
	[sflag:s23] =	ssyncadd.s32 $0xFFFFFFFF  }
0xa5: {  	s26 =	simm.s32 $execute0_lowered;
	[smem:$0x3FD2] =	sst s25  }
0xa6: {  	s5 =	sshll.u32 s26, $0x1;
	_ =	strace $0x80000046;
	[dreg:$0x1] =	wrdreg $0xFFFFFFFF  }
0xa7: {  	s28 =	simm.s32 $_size_execute0_lowered;
	s3 =	sadd.s32 s3, s5;
	[dreg:$0x0] =	wrdreg $0x0  }
0xa8: {  	s5 =	sshll.u32 s28, $0x1;
	[dreg:$0x2] =	wrdreg s3  }
0xa9: {  	[dreg:$0x3] =	wrdreg s5  }
0xaa: {  	[dreg:$0x4] =	wrdreg $0xC0  }
0xab: {  	_ =	task [dreg:s7], $0x5FFFF  }
0xac: {  	[dreg:$0x1] =	wrdreg $0xFFFFFFFF  }
0xad: {  	[dreg:$0x0] =	wrdreg $0x60  }
0xae: {  	[dreg:$0x2] =	wrdreg s2  }
0xaf: {  	[dreg:$0x3] =	wrdreg s24  }
0xb0: {  	[dreg:$0x4] =	wrdreg $0x9  }
0xb1: {  	_ =	task.clear_ibuf [dreg:s7], $0x5FFFF;
	_ =	strace $0x90000046  }
0xb2: {  	s29 =	simm.s32 $0x9;
	_ =	strace $0x80000048  }
0xb3: {  	_ =	swait.ge [sflag:s29], $0x1  }
0xb4: {  	[sflag:s29] =	ssyncadd.s32 $0xFFFFFFFF  }
0xb5: {  	_ =	strace $0x90000048  }
0xb6: {  	_ =	sfence  }
0xb7: {  	s30 =	sld [smem:$0x0];
	_ =	sdelay $0x2  }
0xb8: {  	s31 =	sshll.u32 s1, $0xD;
	s1 =	sshrl.u32 s1, $0x2  }
0xb9: {  	s3 =	sand.u32 $0x4000, s31;
	s1 =	sadd.s32 s1, s30  }
0xba: {  	s0 =	sor.u32 s3, s0;
	s1 =	sshll.u32 s1, $0x11  }
0xbb: {  	s0 =	sor.u32 s1, s0  }
0xbc: {  	s0 =	sadd.s32 $0x8F2B, s0  }
0xbd: {  	[sflag:s0] =	ssyncadd.remote.s32 $0x1  }
0xbe: {  	_ =	sfence.sel $0xFFFF  }
0xbf: {  	[dreg:$0x0] =	wrdreg $0xFFFFFFFF;
	(pc) =	sbr.abs _section_cstart, $3  }
0xc0: {  	[dreg:$0x1] =	wrdreg $0xFFFFFFFF  }
0xc1: {  	_ =	task.clear_ibuf [dreg:s7], $0x2FFFF;
	_ =	strace $0x9FFFFFFF  }
0xc2: {  	(tm) =	ssettm $0x7FFFFFFF  }
0xc3: {  	_ =	shalt  }
tec
execute0_lowered:
.L_overlay_start_1:
0x0: {  	(tag) =	ssettag $0x1  }
0x1: {  	s1 =	srdreg.scid;
	s2 =	rddreg [dreg:$0x0]  }
0x2: {  	s0 =	stileid.u32;
	s5 =	rddreg [dreg:$0x1];
	s6 =	simm.s32 $0x1  }
0x3: {  	s9 =	simm.s32 $0x1;
	s10 =	simm.s32 $0x3;
	s1 =	sshll.u32 s1, $0xF  }
0x4: {  	s13 =	simm.s32 $0x0;
	s3 =	sshll.u32 s0, $0x10;
	s4 =	sand.u32 $0x8000, s1  }
0x5: {  	s12 =	simm.s32 $0x0;
	s1 =	rddreg [dreg:$0x2];
	s3 =	sor.u32 s3, s4  }
0x6: {  	_ =	strace $0x80000047;
	s4 =	sadd.s32 $0x7400, s5;
	s8 =	ssub.s32 $0x4E0000, s3  }
.Ltmp0:
0x7: {  	s5 =	sadd.s32 $0xE7000, s5;
	s7 =	sand.u32 $0xF8000, s8;
	(pc) =	sbr.rel .LBB2_1-.Ltmp0, $4  }
0x8: {  	[sflag:s6] =	ssyncpa.u1 $0x0;
	s11 =	smov.u32 s3;
	p0 =	sne.s32 s7, $0x0  }
0x9: {  	s8 =	sshrl.u32 s8, $0x14;
	s7 =	simm.s32 $0x2;
	s9 =	simm.s32 @!p0 $0x0  }
0xa: {  	[sflag:s7] =	ssyncpa.u1 $0x0;
	p0 =	por $0x0, $0x0;
	s8 =	sadd.s32 s9, s8  }
0xb: {  	vm0 =	vmmov $0xffff;
	v0 =	vimm.s32 $0x0;
	[sflag:s10] =	ssyncpa.u1 $0x0;
	s10 =	simm.s32 $0x0;
	s9 =	sadd.s32 $0x1, s8  }
.LBB2_4:
0xc: {  	v2 =	vand.u32 $0x3FF, v2;
	v3 =	vsel vm1, $0xFFFFFFFF, v3;
	vm2 =	veq.s32 v4, $0x1  }
0xd: {  	v2 =	vsel vm1, $0xFFFFFFFF, v2;
	v62 =	vshrl.u32 v3, $0x3;
	v5 =	vsel vm2, $0x300000, v0  }
0xe: {  	v6 =	vand.u32 $0x7F, v2;
	v5 =	vsel vm1, $0xFFD00000, v5;
	v4 =	vmul.u32 $0x1800, v62  }
0xf: {  	v2 =	vshll.u32 v2, $0x3;
	v5 =	vor.u32 v5, v6  }
0x10: {  	v3 =	vshll.u32 v3, $0x7;
	v2 =	vand.u32 $0xFFFFFC00, v2;
	v4 =	vadd.s32 v4, v5  }
0x11: {  	v3 =	vand.u32 $0x380, v3;
	v2 =	vadd.s32 v2, v4  }
0x12: {  	v2 =	vor.u32 v3, v2;
	_ =	sdelay $0x1  }
0x13: {  	(ifvalue) =	ssetifvalue $0x7FFFFFFF;
	s14 =	sadd.s32 $0x10, s14  }
0x14: {  	[tilespmem:s14], [sflag:$0x1] =	stream.indirect_vreg.gather [hbm4b:s2+s10], $0x1, v1, vm0, $0x4038;
	v63 =	vld [tilespmem:$0x0]  }
0x15: {  	(ifvalue) =	ssetifvalue $0x7FFFFFFF;
	s14 =	sadd.s32 $0x10, s14  }
0x16: {  	[tilespmem:s14], [sflag:$0x1] =	stream.indirect_vreg.gather [hbm4b:s2+s10], $0x1, v2, vm0, $0x4038;
	v63 =	vld [tilespmem:$0x0]  }
0x17: {  	_ =	swait.ge [sflag:s6], $0x8000  }
0x18: {  	s30 =	sshrl.u32 s13, $0x3;
	[sflag:s6] =	ssyncset.done $0x0  }
0x19: {  	s31 =	sand.u32 $0x7, s13;
	s14 =	sadd.s32 s5, s30;
	[sflag:s6] =	ssyncadd.s32 $0xFFFF8000  }
0x1a: {  	[hbm4b:s14+s31] =	stream.linear.scatter [tilespmem:s15], [sflag:$0x3], $0x8000, $0x38;
	v63 =	vld [tilespmem:$0x0]  }
.LBB2_5:
0x1b: {  	s15 =	sadd.s32 $0x100000, s11  }
0x1c: {  	p2 =	sgt.s32 s15, $0x4DFFFF  }
0x1d: {  	s15 =	smov.u32 @p2 s3;
	p2 =	sne.s32 s12, s9  }
.Ltmp1:
0x1e: {  	p1 =	slt.u32 s12, $0x2;
	(pc) =	sbr.rel @!p2 .LBB2_6-.Ltmp1, $4  }
0x1f: {  	s14 =	simm.s32 @!p1 $0x3  }
0x20: {  	s16 =	sadd.s32 $0x1, s12;
	_ =	swait.ge @!p1 [sflag:s14], $0x8000  }
0x21: {  	s13 =	smov.u32 s11;
	p0 =	por !p0, !p0;
	[sflag:s14] =	ssyncset.done @!p1 $0x0  }
0x22: {  	s12 =	smov.u32 s16;
	s11 =	smov.u32 s15;
	[sflag:s14] =	ssyncadd.s32 @!p1 $0xFFFF8000  }
.LBB2_1:
0x23: {  	p1 =	sge.u32 s12, s8  }
0x24: {  	s14 =	sxor.u32 @!p1 $0xFFFFFFFF, s12  }
0x25: {  	s31 =	sadd.s32 $0xFFFFFFFF, s12;
	s15 =	sshrl.u32 @!p1 s11, $0x3;
	s14 =	sshll.u32 @!p1 s14, $0xF  }
0x26: {  	s16 =	sand.u32 @!p1 $0x7, s11;
	s15 =	sadd.s32 @!p1 s4, s15;
	s14 =	sand.u32 @!p1 $0x8000, s14  }
0x27: {  	[tilespmem:s14], [sflag:$0x2] =	stream.linear.gather @!p1 [hbm4b:s15+s16], $0x8000, $0x38;
	v63 =	vld [tilespmem:$0x0]  }
0x28: {  	p1 =	sge.u32 s31, s8  }
.Ltmp2:
0x29: {  	_ = 	snop;
	(pc) =	sbr.rel @p1 .LBB2_5-.Ltmp2, $1  }
0x2a: {  	_ =	sdelay $0x3  }
0x2b: {  	s14 =	simm.s32 $0x1  }
0x2c: {  	_ =	swait.ge [sflag:s7], $0x8000;
	s14 =	simm.s32 @!p0 $0x0  }
0x2d: {  	[sflag:s7] =	ssyncset.done $0x0;
	s14 =	sshll.u32 s14, $0xF  }
0x2e: {  	[sflag:s7] =	ssyncadd.s32 $0xFFFF8000;
	(ifvalue) =	ssetifvalue $0x7FFFFFFF;
	v1 =	vld.msk [tilespmem:s14+$0x0 ss:$0x1], $0xffff;
	_ =	sdelay $0x4  }
0x2f: {  	vm1 =	veq.s32 v1, $0x80000000;
	v2 =	vshrl.u32 v1, $0xB  }
0x30: {  	v3 =	vshrl.u32 v1, $0x1;
	v1 =	vand.u32 $0x1, v1;
	v2 =	vand.u32 $0xFFF, v2  }
0x31: {  	s15 =	sadd.s32 $0x10, s14;
	v3 =	vand.u32 $0x3FF, v3;
	vm2 =	veq.s32 v1, $0x1;
	v2 =	vsel vm1, $0xFFFFFFFF, v2  }
0x32: {  	v1 =	vld.msk [tilespmem:s15+$0x0 ss:$0x1], $0xffff;
	v3 =	vsel vm1, $0xFFFFFFFF, v3;
	v5 =	vsel vm2, $0x300000, v0;
	v4 =	vshrl.u32 v2, $0x3  }
0x33: {  	v6 =	vand.u32 $0x7F, v3;
	v5 =	vsel vm1, $0xFFD00000, v5;
	v4 =	vmul.u32 $0x1800, v4  }
0x34: {  	v3 =	vshll.u32 v3, $0x3;
	v5 =	vor.u32 v5, v6  }
0x35: {  	v2 =	vshll.u32 v2, $0x7;
	v3 =	vand.u32 $0xFFFFFC00, v3;
	v4 =	vadd.s32 v4, v5  }
0x36: {  	v2 =	vand.u32 $0x380, v2;
	v3 =	vadd.s32 v3, v4  }
0x37: {  	vm1 =	veq.s32 v1, $0x80000000;
	v4 =	vshrl.u32 v1, $0xB;
	v2 =	vor.u32 v2, v3  }
0x38: {  	v3 =	vshrl.u32 v1, $0x1;
	v4 =	vand.u32 $0xFFF, v4;
	v1 =	vand.u32 $0x1, v1  }
0x39: {  	s17 =	sadd.s32 $0x10, s15;
	v3 =	vand.u32 $0x3FF, v3;
	v4 =	vsel vm1, $0xFFFFFFFF, v4;
	vm2 =	veq.s32 v1, $0x1  }
0x3a: {  	v5 =	vld.msk [tilespmem:s17+$0x0 ss:$0x1], $0xffff;
	v1 =	vsel vm1, $0xFFFFFFFF, v3;
	v3 =	vshrl.u32 v4, $0x3;
	v6 =	vsel vm2, $0x300000, v0  }
0x3b: {  	v7 =	vand.u32 $0x7F, v1;
	v6 =	vsel vm1, $0xFFD00000, v6;
	v3 =	vmul.u32 $0x1800, v3  }
0x3c: {  	v1 =	vshll.u32 v1, $0x3;
	v6 =	vor.u32 v6, v7  }
0x3d: {  	s31 =	sshll.u32 s12, $0xF;
	s14 =	sor.u32 $0x10000, s14;
	(ifvalue) =	ssetifvalue $0x7FFFFFFF;
	v4 =	vshll.u32 v4, $0x7;
	v1 =	vand.u32 $0xFFFFFC00, v1;
	v3 =	vadd.s32 v3, v6  }
0x3e: {  	[tilespmem:s14], [sflag:$0x1] =	stream.indirect_vreg.gather [hbm4b:s2+s10], $0x1, v2, vm0, $0x4038;
	v2 =	vand.u32 $0x380, v4;
	v1 =	vadd.s32 v1, v3;
	v63 =	vld [tilespmem:$0x0]  }
0x3f: {  	s15 =	sand.u32 $0x8000, s31;
	vm1 =	veq.s32 v5, $0x80000000;
	v3 =	vshrl.u32 v5, $0xB;
	v1 =	vor.u32 v2, v1  }
0x40: {  	s16 =	simm.s32 $0x20;
	s15 =	sor.u32 $0x10000, s15;
	s17 =	sadd.s32 $0x10, s17;
	v4 =	vand.u32 $0x1, v5;
	v2 =	vshrl.u32 v5, $0x1;
	v3 =	vand.u32 $0xFFF, v3  }
.LBB2_3:
0x41: {  	v5 =	vld.msk [tilespmem:s17+$0x0 ss:$0x1], $0xffff;
	s16 =	sadd.s32 $0x10, s16;
	v2 =	vand.u32 $0x3FF, v2;
	v3 =	vsel vm1, $0xFFFFFFFF, v3;
	vm2 =	veq.s32 v4, $0x1  }
0x42: {  	p1 =	slt.u32 s16, $0x7FF0;
	v2 =	vsel vm1, $0xFFFFFFFF, v2;
	v4 =	vshrl.u32 v3, $0x3;
	v6 =	vsel vm2, $0x300000, v0  }
0x43: {  	s14 =	sadd.s32 $0x10, s14;
	v7 =	vand.u32 $0x7F, v2;
	v6 =	vsel vm1, $0xFFD00000, v6;
	v4 =	vmul.u32 $0x1800, v4;
	(ifvalue) =	ssetifvalue $0x7FFFFFFF  }
0x44: {  	[tilespmem:s14], [sflag:$0x1] =	stream.indirect_vreg.gather [hbm4b:s2+s10], $0x1, v1, vm0, $0x4038;
	v63 =	vld [tilespmem:$0x0]  }
.Ltmp3:
0x45: {  	v2 =	vshll.u32 v2, $0x3;
	v6 =	vor.u32 v6, v7;
	(pc) =	sbr.rel @p1 .LBB2_3-.Ltmp3, $4  }
0x46: {  	v1 =	vand.u32 $0xFFFFFC00, v2;
	v2 =	vshll.u32 v3, $0x7;
	v3 =	vadd.s32 v4, v6  }
0x47: {  	v2 =	vand.u32 $0x380, v2;
	v1 =	vadd.s32 v1, v3  }
0x48: {  	vm1 =	veq.s32 v5, $0x80000000;
	v3 =	vshrl.u32 v5, $0xB;
	v1 =	vor.u32 v2, v1  }
0x49: {  	s17 =	sadd.s32 $0x10, s17;
	v4 =	vand.u32 $0x1, v5;
	v2 =	vshrl.u32 v5, $0x1;
	v3 =	vand.u32 $0xFFF, v3  }
.Ltmp4:
0x4a: {  	_ = 	snop;
	(pc) =	sbr.rel .LBB2_4-.Ltmp4, $1  }
0x4b: {  	_ =	sdelay $0x3  }
.LBB2_6:
0x4c: {  	_ =	sfence.sel $0x180000  }
0x4d: {  	s2 =	simm.s32 $0x2;
	[bflag:$0x0] =	sbarrier.arrive $0xFFFF  }
0x4e: {  	s30 =	simm.s32 $0x3;
	[sflag:s2] =	ssyncpa.u1 $0x1  }
0x4f: {  	s31 =	simm.s32 $0x1;
	[sflag:s30] =	ssyncpa.u1 $0x1  }
0x50: {  	[sflag:s31] =	ssyncpa.u1 $0x1  }
0x51: {  	p0 =	sne.s32 s0, $0x0;
	_ =	strace $0x90000047  }
0x52: {  	s0 =	sadd.s32 @!p0 $0x100000, s1;
	[bflag:$0x2] =	sbarrier.arrive $0xFFFF  }
0x53: {  	[sflag:s0] =	ssyncadd.tile.s32 @!p0 $0x1;
	_ =	shalt  }
.Lfunc_end2:
_tile_overlayer_lowered:
.L_overlay_start_2:
0x54: {  	(tag) =	ssettag $0x2  }
0x55: {  	s0 =	rddreg [dreg:$0x0];
	s2 =	stileid.u32  }
0x56: {  	s1 =	rddreg [dreg:$0x1];
	p0 =	sne.s32 s2, $0x0  }
0x57: {  	s3 =	rddreg [dreg:$0x2];
	[bflag:$0x3] =	sbarrier.arrive $0xFFFF;
	s2 =	simm.s32 @!p0 $0x1C01  }
0x58: {  	[timem:s3], [sflag:s2] =	dma.local @!p0 [hbm:s0], s1  }
0x59: {  	s0 =	simm.s32 @!p0 $0x1  }
0x5a: {  	_ =	swait.ge @!p0 [sflag:s0], s1  }
0x5b: {  	s1 =	ssub.s32 @!p0 $0x0, s1;
	[sflag:s0] =	ssyncset.done @!p0 $0x0  }
0x5c: {  	[sflag:s0] =	ssyncadd.s32 @!p0 s1  }
0x5d: {  	[bflag:$0x3] =	sbarrier.arrive $0xFFFF  }
0x5e: {  	_ =	shalt  }

</sc_bundles>
